<compile_context>
chip_gen: v7x
topology: tpu7x:2x2x1
jax: 0.10.2.dev20260603
libtpu: 0.0.44.dev20260713+nightly
codegen_flags: <defaults>
</compile_context>

<pallas_src>
import jax
import jax.numpy as jnp
from jax import lax
from jax.experimental import pallas as pl
from jax.experimental.pallas import tpu as pltpu
from jax.experimental.pallas import tpu_sc as plsc

N = 10000
E = 320000
D = 128
G = 32

NP = 10240
NTILES = 32
EPT = E // NTILES
CH = 125
NCH = EPT // CH
ROWS_PT = NP // 16

BLK = 2048
GRID = NP // BLK

f32 = jnp.float32
bf16 = jnp.bfloat16

_mesh = plsc.VectorSubcoreMesh(core_axis_name="c", subcore_axis_name="s")


def _sc_mp_body(g_hbm, edges_hbm, zero_hbm, acc_hbm,
                edge_buf, buf0, sem0, acc_sh):
    c = lax.axis_index("c")
    s = lax.axis_index("s")
    wid = c * 16 + s
    pltpu.sync_copy(edges_hbm.at[wid], edge_buf)
    src_buf = edge_buf.at[0]
    dst_buf = edge_buf.at[1]
    rows = pl.ds(s * ROWS_PT, ROWS_PT)
    pltpu.sync_copy(zero_hbm.at[rows], acc_sh.at[rows])
    plsc.subcore_barrier()

    def body(j, carry):
        pltpu.async_copy(g_hbm.at[src_buf.at[j]], buf0, sem0).wait()
        pltpu.sync_copy(buf0, acc_sh.at[dst_buf.at[j]], add=True)
        return carry

    lax.fori_loop(0, NCH, body, 0)
    plsc.subcore_barrier()
    pltpu.sync_copy(acc_sh.at[rows], acc_hbm.at[c].at[rows])


_sc_mp = pl.kernel(
    _sc_mp_body,
    out_type=jax.ShapeDtypeStruct((2, NP, D), f32),
    mesh=_mesh,
    scratch_types=[
        pltpu.VMEM((2, NCH, CH), jnp.int32),
        pltpu.VMEM((CH, D), f32),
        pltpu.SemaphoreType.DMA,
        pltpu.VMEM_SHARED((NP, D), f32),
    ],
)

def _tc0_body(dacc_ref, x_ref, w_ref, bin_ref, W_ref, g_ref, dis_ref):
    deg = dacc_ref[0][:, 0:1] + dacc_ref[1][:, 0:1] + 1.0
    dis = 1.0 / jnp.sqrt(deg)
    h0 = x_ref[...] * w_ref[...] + bin_ref[...]
    t = jnp.dot(h0.astype(bf16), W_ref[...].astype(bf16),
                preferred_element_type=f32)
    g_ref[...] = dis * t
    dis_ref[...] = dis


def _tc_mid_body(acc_ref, gprev_ref, dis_ref, b_ref, W_ref, g_ref):
    dis = dis_ref[...]
    h = dis * (acc_ref[0] + acc_ref[1] + gprev_ref[...]) + b_ref[...]
    t = jnp.dot(h.astype(bf16), W_ref[...].astype(bf16),
                preferred_element_type=f32)
    g_ref[...] = dis * t


def _tc_fin_body(acc_ref, gprev_ref, dis_ref, bg2_ref, batch_ref,
                 Wr1_ref, br1_ref, Wr2_ref, br2_ref, out_ref, pooled_ref):
    i = pl.program_id(0)
    h3 = (dis_ref[...] * (acc_ref[0] + acc_ref[1] + gprev_ref[...])
          + bg2_ref[...])
    bb = batch_ref[...][:, 0]
    gids = lax.broadcasted_iota(jnp.int32, (G, BLK), 0)
    Bt = (bb[None, :] == gids).astype(bf16)
    hi = h3.astype(bf16)
    r = h3 - hi.astype(f32)
    mid = r.astype(bf16)
    lo = (r - mid.astype(f32)).astype(bf16)
    part = (jnp.dot(Bt, hi, preferred_element_type=f32)
            + jnp.dot(Bt, mid, preferred_element_type=f32)
            + jnp.dot(Bt, lo, preferred_element_type=f32))

    @pl.when(i == 0)
    def _():
        pooled_ref[...] = part

    @pl.when(i > 0)
    def _():
        pooled_ref[...] += part

    @pl.when(i == pl.num_programs(0) - 1)
    def _():
        pooled = pooled_ref[...]
        hid = jnp.tanh(
            jnp.dot(pooled.astype(bf16), Wr1_ref[...].astype(bf16),
                    preferred_element_type=f32) + br1_ref[...])
        out_ref[...] = (jnp.dot(hid.astype(bf16), Wr2_ref[...].astype(bf16),
                                preferred_element_type=f32) + br2_ref[...])


def _row_spec(width):
    return pl.BlockSpec((BLK, width), lambda i: (i, 0))


_acc_spec = pl.BlockSpec((2, BLK, D), lambda i: (0, i, 0))
_dacc_spec = pl.BlockSpec((2, BLK, D), lambda i: (0, i, 0))
_w_spec = pl.BlockSpec((D, D), lambda i: (0, 0))
_vec_spec = pl.BlockSpec((1, D), lambda i: (0, 0))


def _tc0(dacc, x2, w2, bin2, Wg0):
    return pl.pallas_call(
        _tc0_body,
        grid=(GRID,),
        in_specs=[_dacc_spec, _row_spec(1), _vec_spec, _vec_spec, _w_spec],
        out_specs=[_row_spec(D), _row_spec(1)],
        out_shape=[jax.ShapeDtypeStruct((NP, D), f32),
                   jax.ShapeDtypeStruct((NP, 1), f32)],
    )(dacc, x2, w2, bin2, Wg0)


def _tc_mid(acc, gprev, dis, b2, W):
    return pl.pallas_call(
        _tc_mid_body,
        grid=(GRID,),
        in_specs=[_acc_spec, _row_spec(D), _row_spec(1), _vec_spec, _w_spec],
        out_specs=_row_spec(D),
        out_shape=jax.ShapeDtypeStruct((NP, D), f32),
    )(acc, gprev, dis, b2, W)


def _tc_fin(acc, gprev, dis, bg2_2, batch2, Wr1, br1_2, Wr2, br2_2):
    return pl.pallas_call(
        _tc_fin_body,
        grid=(GRID,),
        in_specs=[_acc_spec, _row_spec(D), _row_spec(1), _vec_spec,
                  _row_spec(1), _w_spec, _vec_spec,
                  pl.BlockSpec((D, 1), lambda i: (0, 0)),
                  pl.BlockSpec((1, 1), lambda i: (0, 0))],
        out_specs=pl.BlockSpec((G, 1), lambda i: (0, 0)),
        out_shape=jax.ShapeDtypeStruct((G, 1), f32),
        scratch_shapes=[pltpu.VMEM((G, D), f32)],
    )(acc, gprev, dis, bg2_2, batch2, Wr1, br1_2, Wr2, br2_2)


def kernel(x, edge_index, batch, W_in, b_in, Wg0, bg0, Wg1, bg1, Wg2, bg2,
           Wr1, br1, Wr2, br2):
    edges4 = jnp.transpose(edge_index.reshape(2, NTILES, NCH, CH),
                           (1, 0, 2, 3))
    zeros = jnp.zeros((NP, D), f32)
    ones = jnp.ones((NP, D), f32)
    x2 = jnp.pad(x, (0, NP - N)).reshape(NP, 1)
    batch2 = jnp.pad(batch, (0, NP - N), constant_values=G).reshape(NP, 1)

    dacc = _sc_mp(ones, edges4, zeros)
    g0, dis = _tc0(dacc, x2, W_in, b_in.reshape(1, D), Wg0)
    a0 = _sc_mp(g0, edges4, zeros)
    g1 = _tc_mid(a0, g0, dis, bg0.reshape(1, D), Wg1)
    a1 = _sc_mp(g1, edges4, zeros)
    g2 = _tc_mid(a1, g1, dis, bg1.reshape(1, D), Wg2)
    a2 = _sc_mp(g2, edges4, zeros)
    return _tc_fin(a2, g2, dis, bg2.reshape(1, D), batch2,
                   Wr1, br1.reshape(1, D), Wr2, br2.reshape(1, 1))

# --- scband reference (transcript-rebuilt; emitter-appended) ---
"""Pipeline reference for scband-pure-gnn-34351148433711 (READ-ONLY COPY).

The authoritative reference and input builder live on the scoring server;
editing this copy changes nothing except your own understanding.
"""

import jax, jax.numpy as jnp
import numpy as np

N = 10000
E = 320000
D = 128
G = 32


def setup_inputs(seed: int = 0) -> dict:
    key = jax.random.key(seed)
    ks = jax.random.split(key, 16)
    x = jax.random.normal(ks[0], (N,), dtype=jnp.float32)
    edge_index = jax.random.randint(ks[1], (2, E), 0, N, dtype=jnp.int32)
    batch = jnp.sort(jax.random.randint(ks[2], (N,), 0, G, dtype=jnp.int32))
    def lin(k, fan_in, fan_out):
        bound = 1.0 / np.sqrt(fan_in)
        k1, k2 = jax.random.split(k)
        W = jax.random.uniform(k1, (fan_in, fan_out), minval=-bound, maxval=bound, dtype=jnp.float32)
        b = jax.random.uniform(k2, (fan_out,), minval=-bound, maxval=bound, dtype=jnp.float32)
        return W, b
    W_in, b_in = lin(ks[3], 1, D)
    Wg0, bg0 = lin(ks[4], D, D)
    Wg1, bg1 = lin(ks[5], D, D)
    Wg2, bg2 = lin(ks[6], D, D)
    Wr1, br1 = lin(ks[7], D, D)
    Wr2, br2 = lin(ks[8], D, 1)
    return {"x": x, "edge_index": edge_index, "batch": batch,
            "W_in": W_in, "b_in": b_in,
            "Wg0": Wg0, "bg0": bg0, "Wg1": Wg1, "bg1": bg1, "Wg2": Wg2, "bg2": bg2,
            "Wr1": Wr1, "br1": br1, "Wr2": Wr2, "br2": br2}


def _gcn_conv(x, src, dst, W, b):
    # PyG GCNConv with default add_self_loops=True, symmetric normalization
    n = x.shape[0]
    loop = jnp.arange(n, dtype=src.dtype)
    s = jnp.concatenate([src, loop])
    d = jnp.concatenate([dst, loop])
    deg = jnp.zeros((n,), x.dtype).at[d].add(1.0)
    dis = jnp.where(deg > 0, 1.0 / jnp.sqrt(deg), 0.0)
    norm = dis[s] * dis[d]
    h = x @ W
    msg = h[s] * norm[:, None]
    out = jnp.zeros_like(h).at[d].add(msg)
    return out + b


def reference(x, edge_index, batch, W_in, b_in, Wg0, bg0, Wg1, bg1, Wg2, bg2, Wr1, br1, Wr2, br2):
    src, dst = edge_index[0], edge_index[1]
    h = x.reshape(-1, 1) @ W_in + b_in
    # NOTE: original torch code calls x.relu() without assignment (a no-op),
    # so faithfully NO relu is applied between GCN layers.
    h = _gcn_conv(h, src, dst, Wg0, bg0)
    h = _gcn_conv(h, src, dst, Wg1, bg1)
    h = _gcn_conv(h, src, dst, Wg2, bg2)
    pooled = jax.ops.segment_sum(h, batch, num_segments=G)
    out = jnp.tanh(pooled @ Wr1 + br1) @ Wr2 + br2
    return out

if __name__ == "__main__":
    import jax
    _d = setup_inputs()
    print(jax.jit(kernel)(*tuple(_d.values())))

</pallas_src>

<mosaic_0001>
#map = affine_map<(d0, d1) -> (0, 0)>
#map1 = affine_map<(d0, d1) -> (0, 0, 0, 0)>
#map2 = affine_map<(d0, d1) -> (0, 0, 0)>
module attributes {stable_mosaic.version = 14 : i64} {
  func.func @_sc_mp_body(%arg0: i32, %arg1: i32, %arg2: memref<10240x128xf32, #tpu.memory_space<hbm>>, %arg3: memref<32x2x80x125xi32, #tpu.memory_space<hbm>>, %arg4: memref<10240x128xf32, #tpu.memory_space<hbm>>, %arg5: memref<2x10240x128xf32, #tpu.memory_space<hbm>>, %arg6: memref<2x80x125xi32, #tpu.memory_space<vmem>>, %arg7: memref<125x128xf32, #tpu.memory_space<vmem>>, %arg8: memref<!tpu.dma_semaphore, #tpu.memory_space<semaphore_mem>>, %arg9: memref<10240x128xf32, #tpu.memory_space<vmem_shared>>) attributes {dimension_semantics = [#tpu.dimension_semantics<core_parallel>, #tpu.dimension_semantics<subcore_parallel>], iteration_bounds = array<i64: 2, 16>, scalar_prefetch = 0 : i64, scratch_operands = 4 : i64, tpu.core_type = #tpu.core_type<sc_vector_subcore>, window_params = [{transform_indices = #map}, {transform_indices = #map1}, {transform_indices = #map}, {transform_indices = #map2}]} {
    %mul3A = arith.constant 16 : i32
    %mul3A_0 = arith.muli %arg0, %mul3A : i32
    %add3A = arith.addi %mul3A_0, %arg1 : i32
    "tpu.region"() ({
      %run_scoped3A = tpu.sem_alloc : memref<!tpu.dma_semaphore, #tpu.memory_space<semaphore_mem>>
      %dma_start3A = arith.constant 0 : i32
      %dma_start3A_11 = arith.constant 0 : i32
      %dma_start3A_12 = arith.constant 0 : i32
      %dma_start3A_13 = tpu.memref_slice %arg3[%add3A, %dma_start3A, %dma_start3A_11, %dma_start3A_12] : memref<32x2x80x125xi32, #tpu.memory_space<hbm>> -> memref<1x2x80x125xi32, #tpu.memory_space<hbm>>
      %dma_start3A_14 = tpu.memref_squeeze %dma_start3A_13 : memref<1x2x80x125xi32, #tpu.memory_space<hbm>> -> memref<2x80x125xi32, #tpu.memory_space<hbm>>
      %dma_start3A_15 = arith.constant 0 : i32
      %dma_start3A_16 = arith.constant 0 : i32
      %dma_start3A_17 = arith.constant 0 : i32
      %dma_start3A_18 = tpu.memref_slice %arg3[%add3A, %dma_start3A_15, %dma_start3A_16, %dma_start3A_17] : memref<32x2x80x125xi32, #tpu.memory_space<hbm>> -> memref<1x2x80x125xi32, #tpu.memory_space<hbm>>
      %dma_start3A_19 = tpu.memref_squeeze %dma_start3A_18 : memref<1x2x80x125xi32, #tpu.memory_space<hbm>> -> memref<2x80x125xi32, #tpu.memory_space<hbm>>
      tpu.enqueue_dma source(%dma_start3A_19 : memref<2x80x125xi32, #tpu.memory_space<hbm>>) target(%arg6 : memref<2x80x125xi32, #tpu.memory_space<vmem>>) target_semaphore(%run_scoped3A : memref<!tpu.dma_semaphore, #tpu.memory_space<semaphore_mem>>)
      %dma_wait3A = arith.constant 0 : i32
      %dma_wait3A_20 = arith.constant 0 : i32
      %dma_wait3A_21 = arith.constant 0 : i32
      %dma_wait3A_22 = tpu.memref_slice %arg3[%add3A, %dma_wait3A, %dma_wait3A_20, %dma_wait3A_21] : memref<32x2x80x125xi32, #tpu.memory_space<hbm>> -> memref<1x2x80x125xi32, #tpu.memory_space<hbm>>
      %dma_wait3A_23 = tpu.memref_squeeze %dma_wait3A_22 : memref<1x2x80x125xi32, #tpu.memory_space<hbm>> -> memref<2x80x125xi32, #tpu.memory_space<hbm>>
      %dma_wait3A_24 = arith.constant 0 : i32
      %dma_wait3A_25 = arith.constant 0 : i32
      %dma_wait3A_26 = arith.constant 0 : i32
      %dma_wait3A_27 = tpu.memref_slice %arg3[%add3A, %dma_wait3A_24, %dma_wait3A_25, %dma_wait3A_26] : memref<32x2x80x125xi32, #tpu.memory_space<hbm>> -> memref<1x2x80x125xi32, #tpu.memory_space<hbm>>
      %dma_wait3A_28 = tpu.memref_squeeze %dma_wait3A_27 : memref<1x2x80x125xi32, #tpu.memory_space<hbm>> -> memref<2x80x125xi32, #tpu.memory_space<hbm>>
      tpu.wait_dma2 semaphore(%run_scoped3A : memref<!tpu.dma_semaphore, #tpu.memory_space<semaphore_mem>>) src(%dma_wait3A_28 : memref<2x80x125xi32, #tpu.memory_space<hbm>>) dst(%arg6 : memref<2x80x125xi32, #tpu.memory_space<vmem>>)
      tpu.yield
    }) : () -> ()
    %mul3A_1 = arith.constant 640 : i32
    %mul3A_2 = arith.muli %arg1, %mul3A_1 : i32
    "tpu.region"() ({
      %run_scoped3A = tpu.sem_alloc : memref<!tpu.dma_semaphore, #tpu.memory_space<semaphore_mem>>
      %dma_start3A = arith.constant 0 : i32
      %dma_start3A_11 = tpu.memref_slice %arg9[%mul3A_2, %dma_start3A] : memref<10240x128xf32, #tpu.memory_space<vmem_shared>> -> memref<640x128xf32, #tpu.memory_space<vmem_shared>>
      %dma_start3A_12 = arith.constant 0 : i32
      %dma_start3A_13 = tpu.memref_slice %arg4[%mul3A_2, %dma_start3A_12] : memref<10240x128xf32, #tpu.memory_space<hbm>> -> memref<640x128xf32, #tpu.memory_space<hbm>>
      tpu.enqueue_dma source(%dma_start3A_13 : memref<640x128xf32, #tpu.memory_space<hbm>>) target(%dma_start3A_11 : memref<640x128xf32, #tpu.memory_space<vmem_shared>>) target_semaphore(%run_scoped3A : memref<!tpu.dma_semaphore, #tpu.memory_space<semaphore_mem>>)
      %dma_wait3A = arith.constant 0 : i32
      %dma_wait3A_14 = tpu.memref_slice %arg9[%mul3A_2, %dma_wait3A] : memref<10240x128xf32, #tpu.memory_space<vmem_shared>> -> memref<640x128xf32, #tpu.memory_space<vmem_shared>>
      %dma_wait3A_15 = arith.constant 0 : i32
      %dma_wait3A_16 = tpu.memref_slice %arg4[%mul3A_2, %dma_wait3A_15] : memref<10240x128xf32, #tpu.memory_space<hbm>> -> memref<640x128xf32, #tpu.memory_space<hbm>>
      tpu.wait_dma2 semaphore(%run_scoped3A : memref<!tpu.dma_semaphore, #tpu.memory_space<semaphore_mem>>) src(%dma_wait3A_16 : memref<640x128xf32, #tpu.memory_space<hbm>>) dst(%dma_wait3A_14 : memref<640x128xf32, #tpu.memory_space<vmem_shared>>)
      tpu.yield
    }) : () -> ()
    %barrier3A = arith.constant 0 : index
    tpu.barrier barrier_id(%barrier3A)
    %scan3A = arith.constant 0 : i32
    %scan3A_3 = arith.constant 0 : i32
    %scan3A_4 = arith.constant 1 : i32
    %scan3A_5 = arith.constant 0 : i32
    %scan3A_6 = arith.constant 80 : i32
    %scan3A_7 = arith.addi %scan3A_5, %scan3A_6 : i32
    %scan3A_8 = arith.constant 1 : i32
    scf.for %scan3A_11 = %scan3A_5 to %scan3A_7 step %scan3A_8  : i32 {
      %dma_start3A = arith.constant 0 : i32
      %dma_start3A_12 = arith.constant 0 : i32
      %dma_start3A_13 = tpu.memref_slice %arg6[%scan3A_3, %dma_start3A, %dma_start3A_12] : memref<2x80x125xi32, #tpu.memory_space<vmem>> -> memref<1x80x125xi32, #tpu.memory_space<vmem>>
      %dma_start3A_14 = tpu.memref_squeeze %dma_start3A_13 : memref<1x80x125xi32, #tpu.memory_space<vmem>> -> memref<80x125xi32, #tpu.memory_space<vmem>>
      %dma_start3A_15 = arith.constant 0 : i32
      %dma_start3A_16 = tpu.memref_slice %dma_start3A_14[%scan3A_11, %dma_start3A_15] : memref<80x125xi32, #tpu.memory_space<vmem>> -> memref<1x125xi32, #tpu.memory_space<vmem>>
      %dma_start3A_17 = tpu.memref_squeeze %dma_start3A_16 : memref<1x125xi32, #tpu.memory_space<vmem>> -> memref<125xi32, #tpu.memory_space<vmem>>
      %dma_start3A_18 = arith.constant 0 : i32
      %dma_start3A_19 = arith.constant 0 : i32
      %dma_start3A_20 = tpu.memref_slice %arg2[%dma_start3A_18, %dma_start3A_19] : memref<10240x128xf32, #tpu.memory_space<hbm>> -> memref<10240x128xf32, #tpu.memory_space<hbm>>
      tpu.enqueue_indirect_dma source(%dma_start3A_20 : memref<10240x128xf32, #tpu.memory_space<hbm>>) target(%arg7 : memref<125x128xf32, #tpu.memory_space<vmem>>) offsets(%dma_start3A_17 : memref<125xi32, #tpu.memory_space<vmem>>) semaphore(%arg8 : memref<!tpu.dma_semaphore, #tpu.memory_space<semaphore_mem>>)
      %dma_wait3A = arith.constant 0 : i32
      %dma_wait3A_21 = arith.constant 0 : i32
      %dma_wait3A_22 = tpu.memref_slice %arg6[%scan3A_3, %dma_wait3A, %dma_wait3A_21] : memref<2x80x125xi32, #tpu.memory_space<vmem>> -> memref<1x80x125xi32, #tpu.memory_space<vmem>>
      %dma_wait3A_23 = tpu.memref_squeeze %dma_wait3A_22 : memref<1x80x125xi32, #tpu.memory_space<vmem>> -> memref<80x125xi32, #tpu.memory_space<vmem>>
      %dma_wait3A_24 = arith.constant 0 : i32
      %dma_wait3A_25 = tpu.memref_slice %dma_wait3A_23[%scan3A_11, %dma_wait3A_24] : memref<80x125xi32, #tpu.memory_space<vmem>> -> memref<1x125xi32, #tpu.memory_space<vmem>>
      %dma_wait3A_26 = tpu.memref_squeeze %dma_wait3A_25 : memref<1x125xi32, #tpu.memory_space<vmem>> -> memref<125xi32, #tpu.memory_space<vmem>>
      %dma_wait3A_27 = arith.constant 0 : i32
      %dma_wait3A_28 = arith.constant 0 : i32
      %dma_wait3A_29 = tpu.memref_slice %arg2[%dma_wait3A_27, %dma_wait3A_28] : memref<10240x128xf32, #tpu.memory_space<hbm>> -> memref<10240x128xf32, #tpu.memory_space<hbm>>
      tpu.wait_indirect_dma semaphore(%arg8 : memref<!tpu.dma_semaphore, #tpu.memory_space<semaphore_mem>>) src(%dma_wait3A_29 : memref<10240x128xf32, #tpu.memory_space<hbm>>) dst(%arg7 : memref<125x128xf32, #tpu.memory_space<vmem>>)
      "tpu.region"() ({
        %run_scoped3A = tpu.sem_alloc : memref<!tpu.dma_semaphore, #tpu.memory_space<semaphore_mem>>
        %dma_start3A_30 = arith.constant 0 : i32
        %dma_start3A_31 = arith.constant 0 : i32
        %dma_start3A_32 = tpu.memref_slice %arg6[%scan3A_4, %dma_start3A_30, %dma_start3A_31] : memref<2x80x125xi32, #tpu.memory_space<vmem>> -> memref<1x80x125xi32, #tpu.memory_space<vmem>>
        %dma_start3A_33 = tpu.memref_squeeze %dma_start3A_32 : memref<1x80x125xi32, #tpu.memory_space<vmem>> -> memref<80x125xi32, #tpu.memory_space<vmem>>
        %dma_start3A_34 = arith.constant 0 : i32
        %dma_start3A_35 = tpu.memref_slice %dma_start3A_33[%scan3A_11, %dma_start3A_34] : memref<80x125xi32, #tpu.memory_space<vmem>> -> memref<1x125xi32, #tpu.memory_space<vmem>>
        %dma_start3A_36 = tpu.memref_squeeze %dma_start3A_35 : memref<1x125xi32, #tpu.memory_space<vmem>> -> memref<125xi32, #tpu.memory_space<vmem>>
        %dma_start3A_37 = arith.constant 0 : i32
        %dma_start3A_38 = arith.constant 0 : i32
        %dma_start3A_39 = tpu.memref_slice %arg9[%dma_start3A_37, %dma_start3A_38] : memref<10240x128xf32, #tpu.memory_space<vmem_shared>> -> memref<10240x128xf32, #tpu.memory_space<vmem_shared>>
        tpu.enqueue_indirect_dma source(%arg7 : memref<125x128xf32, #tpu.memory_space<vmem>>) target(%dma_start3A_39 : memref<10240x128xf32, #tpu.memory_space<vmem_shared>>) offsets(%dma_start3A_36 : memref<125xi32, #tpu.memory_space<vmem>>) semaphore(%run_scoped3A : memref<!tpu.dma_semaphore, #tpu.memory_space<semaphore_mem>>) {add = true}
        %dma_wait3A_40 = arith.constant 0 : i32
        %dma_wait3A_41 = arith.constant 0 : i32
        %dma_wait3A_42 = tpu.memref_slice %arg6[%scan3A_4, %dma_wait3A_40, %dma_wait3A_41] : memref<2x80x125xi32, #tpu.memory_space<vmem>> -> memref<1x80x125xi32, #tpu.memory_space<vmem>>
        %dma_wait3A_43 = tpu.memref_squeeze %dma_wait3A_42 : memref<1x80x125xi32, #tpu.memory_space<vmem>> -> memref<80x125xi32, #tpu.memory_space<vmem>>
        %dma_wait3A_44 = arith.constant 0 : i32
        %dma_wait3A_45 = tpu.memref_slice %dma_wait3A_43[%scan3A_11, %dma_wait3A_44] : memref<80x125xi32, #tpu.memory_space<vmem>> -> memref<1x125xi32, #tpu.memory_space<vmem>>
        %dma_wait3A_46 = tpu.memref_squeeze %dma_wait3A_45 : memref<1x125xi32, #tpu.memory_space<vmem>> -> memref<125xi32, #tpu.memory_space<vmem>>
        %dma_wait3A_47 = arith.constant 0 : i32
        %dma_wait3A_48 = arith.constant 0 : i32
        %dma_wait3A_49 = tpu.memref_slice %arg9[%dma_wait3A_47, %dma_wait3A_48] : memref<10240x128xf32, #tpu.memory_space<vmem_shared>> -> memref<10240x128xf32, #tpu.memory_space<vmem_shared>>
        tpu.wait_indirect_dma semaphore(%run_scoped3A : memref<!tpu.dma_semaphore, #tpu.memory_space<semaphore_mem>>) src(%arg7 : memref<125x128xf32, #tpu.memory_space<vmem>>) dst(%dma_wait3A_49 : memref<10240x128xf32, #tpu.memory_space<vmem_shared>>)
        tpu.yield
      }) : () -> ()
    }
    %scan3A_9 = arith.constant 80 : i32
    %barrier3A_10 = arith.constant 0 : index
    tpu.barrier barrier_id(%barrier3A_10)
    "tpu.region"() ({
      %run_scoped3A = tpu.sem_alloc : memref<!tpu.dma_semaphore, #tpu.memory_space<semaphore_mem>>
      %dma_start3A = arith.constant 0 : i32
      %dma_start3A_11 = arith.constant 0 : i32
      %dma_start3A_12 = tpu.memref_slice %arg5[%arg0, %dma_start3A, %dma_start3A_11] : memref<2x10240x128xf32, #tpu.memory_space<hbm>> -> memref<1x10240x128xf32, #tpu.memory_space<hbm>>
      %dma_start3A_13 = tpu.memref_squeeze %dma_start3A_12 : memref<1x10240x128xf32, #tpu.memory_space<hbm>> -> memref<10240x128xf32, #tpu.memory_space<hbm>>
      %dma_start3A_14 = arith.constant 0 : i32
      %dma_start3A_15 = tpu.memref_slice %dma_start3A_13[%mul3A_2, %dma_start3A_14] : memref<10240x128xf32, #tpu.memory_space<hbm>> -> memref<640x128xf32, #tpu.memory_space<hbm>>
      %dma_start3A_16 = arith.constant 0 : i32
      %dma_start3A_17 = tpu.memref_slice %arg9[%mul3A_2, %dma_start3A_16] : memref<10240x128xf32, #tpu.memory_space<vmem_shared>> -> memref<640x128xf32, #tpu.memory_space<vmem_shared>>
      tpu.enqueue_dma source(%dma_start3A_17 : memref<640x128xf32, #tpu.memory_space<vmem_shared>>) target(%dma_start3A_15 : memref<640x128xf32, #tpu.memory_space<hbm>>) target_semaphore(%run_scoped3A : memref<!tpu.dma_semaphore, #tpu.memory_space<semaphore_mem>>)
      %dma_wait3A = arith.constant 0 : i32
      %dma_wait3A_18 = arith.constant 0 : i32
      %dma_wait3A_19 = tpu.memref_slice %arg5[%arg0, %dma_wait3A, %dma_wait3A_18] : memref<2x10240x128xf32, #tpu.memory_space<hbm>> -> memref<1x10240x128xf32, #tpu.memory_space<hbm>>
      %dma_wait3A_20 = tpu.memref_squeeze %dma_wait3A_19 : memref<1x10240x128xf32, #tpu.memory_space<hbm>> -> memref<10240x128xf32, #tpu.memory_space<hbm>>
      %dma_wait3A_21 = arith.constant 0 : i32
      %dma_wait3A_22 = tpu.memref_slice %dma_wait3A_20[%mul3A_2, %dma_wait3A_21] : memref<10240x128xf32, #tpu.memory_space<hbm>> -> memref<640x128xf32, #tpu.memory_space<hbm>>
      %dma_wait3A_23 = arith.constant 0 : i32
      %dma_wait3A_24 = tpu.memref_slice %arg9[%mul3A_2, %dma_wait3A_23] : memref<10240x128xf32, #tpu.memory_space<vmem_shared>> -> memref<640x128xf32, #tpu.memory_space<vmem_shared>>
      tpu.wait_dma2 semaphore(%run_scoped3A : memref<!tpu.dma_semaphore, #tpu.memory_space<semaphore_mem>>) src(%dma_wait3A_24 : memref<640x128xf32, #tpu.memory_space<vmem_shared>>) dst(%dma_wait3A_22 : memref<640x128xf32, #tpu.memory_space<hbm>>)
      tpu.yield
    }) : () -> ()
    return
  }
}

#map = affine_map<(d0, d1) -> (0, 0)>
#map1 = affine_map<(d0, d1) -> (0, 0, 0, 0)>
#map2 = affine_map<(d0, d1) -> (0, 0, 0)>
module attributes {stable_mosaic.version = 14 : i64} {
  func.func @_sc_mp_body(%arg0: i32, %arg1: i32, %arg2: memref<10240x128xf32, #tpu.memory_space<hbm>>, %arg3: memref<32x2x80x125xi32, #tpu.memory_space<hbm>>, %arg4: memref<10240x128xf32, #tpu.memory_space<hbm>>, %arg5: memref<2x10240x128xf32, #tpu.memory_space<hbm>>, %arg6: memref<2x80x125xi32, #tpu.memory_space<vmem>>, %arg7: memref<125x128xf32, #tpu.memory_space<vmem>>, %arg8: memref<!tpu.dma_semaphore, #tpu.memory_space<semaphore_mem>>, %arg9: memref<10240x128xf32, #tpu.memory_space<vmem_shared>>) attributes {dimension_semantics = [#tpu.dimension_semantics<core_parallel>, #tpu.dimension_semantics<subcore_parallel>], iteration_bounds = array<i64: 2, 16>, scalar_prefetch = 0 : i64, scratch_operands = 4 : i64, tpu.core_type = #tpu.core_type<sc_vector_subcore>, window_params = [{transform_indices = #map}, {transform_indices = #map1}, {transform_indices = #map}, {transform_indices = #map2}]} {
    %mul3A = arith.constant 16 : i32
    %mul3A_0 = arith.muli %arg0, %mul3A : i32
    %add3A = arith.addi %mul3A_0, %arg1 : i32
    "tpu.region"() ({
      %run_scoped3A = tpu.sem_alloc : memref<!tpu.dma_semaphore, #tpu.memory_space<semaphore_mem>>
      %dma_start3A = arith.constant 0 : i32
      %dma_start3A_11 = arith.constant 0 : i32
      %dma_start3A_12 = arith.constant 0 : i32
      %dma_start3A_13 = tpu.memref_slice %arg3[%add3A, %dma_start3A, %dma_start3A_11, %dma_start3A_12] : memref<32x2x80x125xi32, #tpu.memory_space<hbm>> -> memref<1x2x80x125xi32, #tpu.memory_space<hbm>>
      %dma_start3A_14 = tpu.memref_squeeze %dma_start3A_13 : memref<1x2x80x125xi32, #tpu.memory_space<hbm>> -> memref<2x80x125xi32, #tpu.memory_space<hbm>>
      %dma_start3A_15 = arith.constant 0 : i32
      %dma_start3A_16 = arith.constant 0 : i32
      %dma_start3A_17 = arith.constant 0 : i32
      %dma_start3A_18 = tpu.memref_slice %arg3[%add3A, %dma_start3A_15, %dma_start3A_16, %dma_start3A_17] : memref<32x2x80x125xi32, #tpu.memory_space<hbm>> -> memref<1x2x80x125xi32, #tpu.memory_space<hbm>>
      %dma_start3A_19 = tpu.memref_squeeze %dma_start3A_18 : memref<1x2x80x125xi32, #tpu.memory_space<hbm>> -> memref<2x80x125xi32, #tpu.memory_space<hbm>>
      tpu.enqueue_dma source(%dma_start3A_19 : memref<2x80x125xi32, #tpu.memory_space<hbm>>) target(%arg6 : memref<2x80x125xi32, #tpu.memory_space<vmem>>) target_semaphore(%run_scoped3A : memref<!tpu.dma_semaphore, #tpu.memory_space<semaphore_mem>>)
      %dma_wait3A = arith.constant 0 : i32
      %dma_wait3A_20 = arith.constant 0 : i32
      %dma_wait3A_21 = arith.constant 0 : i32
      %dma_wait3A_22 = tpu.memref_slice %arg3[%add3A, %dma_wait3A, %dma_wait3A_20, %dma_wait3A_21] : memref<32x2x80x125xi32, #tpu.memory_space<hbm>> -> memref<1x2x80x125xi32, #tpu.memory_space<hbm>>
      %dma_wait3A_23 = tpu.memref_squeeze %dma_wait3A_22 : memref<1x2x80x125xi32, #tpu.memory_space<hbm>> -> memref<2x80x125xi32, #tpu.memory_space<hbm>>
      %dma_wait3A_24 = arith.constant 0 : i32
      %dma_wait3A_25 = arith.constant 0 : i32
      %dma_wait3A_26 = arith.constant 0 : i32
      %dma_wait3A_27 = tpu.memref_slice %arg3[%add3A, %dma_wait3A_24, %dma_wait3A_25, %dma_wait3A_26] : memref<32x2x80x125xi32, #tpu.memory_space<hbm>> -> memref<1x2x80x125xi32, #tpu.memory_space<hbm>>
      %dma_wait3A_28 = tpu.memref_squeeze %dma_wait3A_27 : memref<1x2x80x125xi32, #tpu.memory_space<hbm>> -> memref<2x80x125xi32, #tpu.memory_space<hbm>>
      tpu.wait_dma2 semaphore(%run_scoped3A : memref<!tpu.dma_semaphore, #tpu.memory_space<semaphore_mem>>) src(%dma_wait3A_28 : memref<2x80x125xi32, #tpu.memory_space<hbm>>) dst(%arg6 : memref<2x80x125xi32, #tpu.memory_space<vmem>>)
      tpu.yield
    }) : () -> ()
    %mul3A_1 = arith.constant 640 : i32
    %mul3A_2 = arith.muli %arg1, %mul3A_1 : i32
    "tpu.region"() ({
      %run_scoped3A = tpu.sem_alloc : memref<!tpu.dma_semaphore, #tpu.memory_space<semaphore_mem>>
      %dma_start3A = arith.constant 0 : i32
      %dma_start3A_11 = tpu.memref_slice %arg9[%mul3A_2, %dma_start3A] : memref<10240x128xf32, #tpu.memory_space<vmem_shared>> -> memref<640x128xf32, #tpu.memory_space<vmem_shared>>
      %dma_start3A_12 = arith.constant 0 : i32
      %dma_start3A_13 = tpu.memref_slice %arg4[%mul3A_2, %dma_start3A_12] : memref<10240x128xf32, #tpu.memory_space<hbm>> -> memref<640x128xf32, #tpu.memory_space<hbm>>
      tpu.enqueue_dma source(%dma_start3A_13 : memref<640x128xf32, #tpu.memory_space<hbm>>) target(%dma_start3A_11 : memref<640x128xf32, #tpu.memory_space<vmem_shared>>) target_semaphore(%run_scoped3A : memref<!tpu.dma_semaphore, #tpu.memory_space<semaphore_mem>>)
      %dma_wait3A = arith.constant 0 : i32
      %dma_wait3A_14 = tpu.memref_slice %arg9[%mul3A_2, %dma_wait3A] : memref<10240x128xf32, #tpu.memory_space<vmem_shared>> -> memref<640x128xf32, #tpu.memory_space<vmem_shared>>
      %dma_wait3A_15 = arith.constant 0 : i32
      %dma_wait3A_16 = tpu.memref_slice %arg4[%mul3A_2, %dma_wait3A_15] : memref<10240x128xf32, #tpu.memory_space<hbm>> -> memref<640x128xf32, #tpu.memory_space<hbm>>
      tpu.wait_dma2 semaphore(%run_scoped3A : memref<!tpu.dma_semaphore, #tpu.memory_space<semaphore_mem>>) src(%dma_wait3A_16 : memref<640x128xf32, #tpu.memory_space<hbm>>) dst(%dma_wait3A_14 : memref<640x128xf32, #tpu.memory_space<vmem_shared>>)
      tpu.yield
    }) : () -> ()
    %barrier3A = arith.constant 0 : index
    tpu.barrier barrier_id(%barrier3A)
    %scan3A = arith.constant 0 : i32
    %scan3A_3 = arith.constant 0 : i32
    %scan3A_4 = arith.constant 1 : i32
    %scan3A_5 = arith.constant 0 : i32
    %scan3A_6 = arith.constant 80 : i32
    %scan3A_7 = arith.addi %scan3A_5, %scan3A_6 : i32
    %scan3A_8 = arith.constant 1 : i32
    scf.for %scan3A_11 = %scan3A_5 to %scan3A_7 step %scan3A_8  : i32 {
      %dma_start3A = arith.constant 0 : i32
      %dma_start3A_12 = arith.constant 0 : i32
      %dma_start3A_13 = tpu.memref_slice %arg6[%scan3A_3, %dma_start3A, %dma_start3A_12] : memref<2x80x125xi32, #tpu.memory_space<vmem>> -> memref<1x80x125xi32, #tpu.memory_space<vmem>>
      %dma_start3A_14 = tpu.memref_squeeze %dma_start3A_13 : memref<1x80x125xi32, #tpu.memory_space<vmem>> -> memref<80x125xi32, #tpu.memory_space<vmem>>
      %dma_start3A_15 = arith.constant 0 : i32
      %dma_start3A_16 = tpu.memref_slice %dma_start3A_14[%scan3A_11, %dma_start3A_15] : memref<80x125xi32, #tpu.memory_space<vmem>> -> memref<1x125xi32, #tpu.memory_space<vmem>>
      %dma_start3A_17 = tpu.memref_squeeze %dma_start3A_16 : memref<1x125xi32, #tpu.memory_space<vmem>> -> memref<125xi32, #tpu.memory_space<vmem>>
      %dma_start3A_18 = arith.constant 0 : i32
      %dma_start3A_19 = arith.constant 0 : i32
      %dma_start3A_20 = tpu.memref_slice %arg2[%dma_start3A_18, %dma_start3A_19] : memref<10240x128xf32, #tpu.memory_space<hbm>> -> memref<10240x128xf32, #tpu.memory_space<hbm>>
      tpu.enqueue_indirect_dma source(%dma_start3A_20 : memref<10240x128xf32, #tpu.memory_space<hbm>>) target(%arg7 : memref<125x128xf32, #tpu.memory_space<vmem>>) offsets(%dma_start3A_17 : memref<125xi32, #tpu.memory_space<vmem>>) semaphore(%arg8 : memref<!tpu.dma_semaphore, #tpu.memory_space<semaphore_mem>>)
      %dma_wait3A = arith.constant 0 : i32
      %dma_wait3A_21 = arith.constant 0 : i32
      %dma_wait3A_22 = tpu.memref_slice %arg6[%scan3A_3, %dma_wait3A, %dma_wait3A_21] : memref<2x80x125xi32, #tpu.memory_space<vmem>> -> memref<1x80x125xi32, #tpu.memory_space<vmem>>
      %dma_wait3A_23 = tpu.memref_squeeze %dma_wait3A_22 : memref<1x80x125xi32, #tpu.memory_space<vmem>> -> memref<80x125xi32, #tpu.memory_space<vmem>>
      %dma_wait3A_24 = arith.constant 0 : i32
      %dma_wait3A_25 = tpu.memref_slice %dma_wait3A_23[%scan3A_11, %dma_wait3A_24] : memref<80x125xi32, #tpu.memory_space<vmem>> -> memref<1x125xi32, #tpu.memory_space<vmem>>
      %dma_wait3A_26 = tpu.memref_squeeze %dma_wait3A_25 : memref<1x125xi32, #tpu.memory_space<vmem>> -> memref<125xi32, #tpu.memory_space<vmem>>
      %dma_wait3A_27 = arith.constant 0 : i32
      %dma_wait3A_28 = arith.constant 0 : i32
      %dma_wait3A_29 = tpu.memref_slice %arg2[%dma_wait3A_27, %dma_wait3A_28] : memref<10240x128xf32, #tpu.memory_space<hbm>> -> memref<10240x128xf32, #tpu.memory_space<hbm>>
      tpu.wait_indirect_dma semaphore(%arg8 : memref<!tpu.dma_semaphore, #tpu.memory_space<semaphore_mem>>) src(%dma_wait3A_29 : memref<10240x128xf32, #tpu.memory_space<hbm>>) dst(%arg7 : memref<125x128xf32, #tpu.memory_space<vmem>>)
      "tpu.region"() ({
        %run_scoped3A = tpu.sem_alloc : memref<!tpu.dma_semaphore, #tpu.memory_space<semaphore_mem>>
        %dma_start3A_30 = arith.constant 0 : i32
        %dma_start3A_31 = arith.constant 0 : i32
        %dma_start3A_32 = tpu.memref_slice %arg6[%scan3A_4, %dma_start3A_30, %dma_start3A_31] : memref<2x80x125xi32, #tpu.memory_space<vmem>> -> memref<1x80x125xi32, #tpu.memory_space<vmem>>
        %dma_start3A_33 = tpu.memref_squeeze %dma_start3A_32 : memref<1x80x125xi32, #tpu.memory_space<vmem>> -> memref<80x125xi32, #tpu.memory_space<vmem>>
        %dma_start3A_34 = arith.constant 0 : i32
        %dma_start3A_35 = tpu.memref_slice %dma_start3A_33[%scan3A_11, %dma_start3A_34] : memref<80x125xi32, #tpu.memory_space<vmem>> -> memref<1x125xi32, #tpu.memory_space<vmem>>
        %dma_start3A_36 = tpu.memref_squeeze %dma_start3A_35 : memref<1x125xi32, #tpu.memory_space<vmem>> -> memref<125xi32, #tpu.memory_space<vmem>>
        %dma_start3A_37 = arith.constant 0 : i32
        %dma_start3A_38 = arith.constant 0 : i32
        %dma_start3A_39 = tpu.memref_slice %arg9[%dma_start3A_37, %dma_start3A_38] : memref<10240x128xf32, #tpu.memory_space<vmem_shared>> -> memref<10240x128xf32, #tpu.memory_space<vmem_shared>>
        tpu.enqueue_indirect_dma source(%arg7 : memref<125x128xf32, #tpu.memory_space<vmem>>) target(%dma_start3A_39 : memref<10240x128xf32, #tpu.memory_space<vmem_shared>>) offsets(%dma_start3A_36 : memref<125xi32, #tpu.memory_space<vmem>>) semaphore(%run_scoped3A : memref<!tpu.dma_semaphore, #tpu.memory_space<semaphore_mem>>) {add = true}
        %dma_wait3A_40 = arith.constant 0 : i32
        %dma_wait3A_41 = arith.constant 0 : i32
        %dma_wait3A_42 = tpu.memref_slice %arg6[%scan3A_4, %dma_wait3A_40, %dma_wait3A_41] : memref<2x80x125xi32, #tpu.memory_space<vmem>> -> memref<1x80x125xi32, #tpu.memory_space<vmem>>
        %dma_wait3A_43 = tpu.memref_squeeze %dma_wait3A_42 : memref<1x80x125xi32, #tpu.memory_space<vmem>> -> memref<80x125xi32, #tpu.memory_space<vmem>>
        %dma_wait3A_44 = arith.constant 0 : i32
        %dma_wait3A_45 = tpu.memref_slice %dma_wait3A_43[%scan3A_11, %dma_wait3A_44] : memref<80x125xi32, #tpu.memory_space<vmem>> -> memref<1x125xi32, #tpu.memory_space<vmem>>
        %dma_wait3A_46 = tpu.memref_squeeze %dma_wait3A_45 : memref<1x125xi32, #tpu.memory_space<vmem>> -> memref<125xi32, #tpu.memory_space<vmem>>
        %dma_wait3A_47 = arith.constant 0 : i32
        %dma_wait3A_48 = arith.constant 0 : i32
        %dma_wait3A_49 = tpu.memref_slice %arg9[%dma_wait3A_47, %dma_wait3A_48] : memref<10240x128xf32, #tpu.memory_space<vmem_shared>> -> memref<10240x128xf32, #tpu.memory_space<vmem_shared>>
        tpu.wait_indirect_dma semaphore(%run_scoped3A : memref<!tpu.dma_semaphore, #tpu.memory_space<semaphore_mem>>) src(%arg7 : memref<125x128xf32, #tpu.memory_space<vmem>>) dst(%dma_wait3A_49 : memref<10240x128xf32, #tpu.memory_space<vmem_shared>>)
        tpu.yield
      }) : () -> ()
    }
    %scan3A_9 = arith.constant 80 : i32
    %barrier3A_10 = arith.constant 0 : index
    tpu.barrier barrier_id(%barrier3A_10)
    "tpu.region"() ({
      %run_scoped3A = tpu.sem_alloc : memref<!tpu.dma_semaphore, #tpu.memory_space<semaphore_mem>>
      %dma_start3A = arith.constant 0 : i32
      %dma_start3A_11 = arith.constant 0 : i32
      %dma_start3A_12 = tpu.memref_slice %arg5[%arg0, %dma_start3A, %dma_start3A_11] : memref<2x10240x128xf32, #tpu.memory_space<hbm>> -> memref<1x10240x128xf32, #tpu.memory_space<hbm>>
      %dma_start3A_13 = tpu.memref_squeeze %dma_start3A_12 : memref<1x10240x128xf32, #tpu.memory_space<hbm>> -> memref<10240x128xf32, #tpu.memory_space<hbm>>
      %dma_start3A_14 = arith.constant 0 : i32
      %dma_start3A_15 = tpu.memref_slice %dma_start3A_13[%mul3A_2, %dma_start3A_14] : memref<10240x128xf32, #tpu.memory_space<hbm>> -> memref<640x128xf32, #tpu.memory_space<hbm>>
      %dma_start3A_16 = arith.constant 0 : i32
      %dma_start3A_17 = tpu.memref_slice %arg9[%mul3A_2, %dma_start3A_16] : memref<10240x128xf32, #tpu.memory_space<vmem_shared>> -> memref<640x128xf32, #tpu.memory_space<vmem_shared>>
      tpu.enqueue_dma source(%dma_start3A_17 : memref<640x128xf32, #tpu.memory_space<vmem_shared>>) target(%dma_start3A_15 : memref<640x128xf32, #tpu.memory_space<hbm>>) target_semaphore(%run_scoped3A : memref<!tpu.dma_semaphore, #tpu.memory_space<semaphore_mem>>)
      %dma_wait3A = arith.constant 0 : i32
      %dma_wait3A_18 = arith.constant 0 : i32
      %dma_wait3A_19 = tpu.memref_slice %arg5[%arg0, %dma_wait3A, %dma_wait3A_18] : memref<2x10240x128xf32, #tpu.memory_space<hbm>> -> memref<1x10240x128xf32, #tpu.memory_space<hbm>>
      %dma_wait3A_20 = tpu.memref_squeeze %dma_wait3A_19 : memref<1x10240x128xf32, #tpu.memory_space<hbm>> -> memref<10240x128xf32, #tpu.memory_space<hbm>>
      %dma_wait3A_21 = arith.constant 0 : i32
      %dma_wait3A_22 = tpu.memref_slice %dma_wait3A_20[%mul3A_2, %dma_wait3A_21] : memref<10240x128xf32, #tpu.memory_space<hbm>> -> memref<640x128xf32, #tpu.memory_space<hbm>>
      %dma_wait3A_23 = arith.constant 0 : i32
      %dma_wait3A_24 = tpu.memref_slice %arg9[%mul3A_2, %dma_wait3A_23] : memref<10240x128xf32, #tpu.memory_space<vmem_shared>> -> memref<640x128xf32, #tpu.memory_space<vmem_shared>>
      tpu.wait_dma2 semaphore(%run_scoped3A : memref<!tpu.dma_semaphore, #tpu.memory_space<semaphore_mem>>) src(%dma_wait3A_24 : memref<640x128xf32, #tpu.memory_space<vmem_shared>>) dst(%dma_wait3A_22 : memref<640x128xf32, #tpu.memory_space<hbm>>)
      tpu.yield
    }) : () -> ()
    return
  }
}

#map = affine_map<(d0, d1) -> (0, 0)>
#map1 = affine_map<(d0, d1) -> (0, 0, 0, 0)>
#map2 = affine_map<(d0, d1) -> (0, 0, 0)>
module attributes {stable_mosaic.version = 14 : i64} {
  func.func @_sc_mp_body(%arg0: i32, %arg1: i32, %arg2: memref<10240x128xf32, #tpu.memory_space<hbm>>, %arg3: memref<32x2x80x125xi32, #tpu.memory_space<hbm>>, %arg4: memref<10240x128xf32, #tpu.memory_space<hbm>>, %arg5: memref<2x10240x128xf32, #tpu.memory_space<hbm>>, %arg6: memref<2x80x125xi32, #tpu.memory_space<vmem>>, %arg7: memref<125x128xf32, #tpu.memory_space<vmem>>, %arg8: memref<!tpu.dma_semaphore, #tpu.memory_space<semaphore_mem>>, %arg9: memref<10240x128xf32, #tpu.memory_space<vmem_shared>>) attributes {dimension_semantics = [#tpu.dimension_semantics<core_parallel>, #tpu.dimension_semantics<subcore_parallel>], iteration_bounds = array<i64: 2, 16>, scalar_prefetch = 0 : i64, scratch_operands = 4 : i64, tpu.core_type = #tpu.core_type<sc_vector_subcore>, window_params = [{transform_indices = #map}, {transform_indices = #map1}, {transform_indices = #map}, {transform_indices = #map2}]} {
    %mul3A = arith.constant 16 : i32
    %mul3A_0 = arith.muli %arg0, %mul3A : i32
    %add3A = arith.addi %mul3A_0, %arg1 : i32
    "tpu.region"() ({
      %run_scoped3A = tpu.sem_alloc : memref<!tpu.dma_semaphore, #tpu.memory_space<semaphore_mem>>
      %dma_start3A = arith.constant 0 : i32
      %dma_start3A_11 = arith.constant 0 : i32
      %dma_start3A_12 = arith.constant 0 : i32
      %dma_start3A_13 = tpu.memref_slice %arg3[%add3A, %dma_start3A, %dma_start3A_11, %dma_start3A_12] : memref<32x2x80x125xi32, #tpu.memory_space<hbm>> -> memref<1x2x80x125xi32, #tpu.memory_space<hbm>>
      %dma_start3A_14 = tpu.memref_squeeze %dma_start3A_13 : memref<1x2x80x125xi32, #tpu.memory_space<hbm>> -> memref<2x80x125xi32, #tpu.memory_space<hbm>>
      %dma_start3A_15 = arith.constant 0 : i32
      %dma_start3A_16 = arith.constant 0 : i32
      %dma_start3A_17 = arith.constant 0 : i32
      %dma_start3A_18 = tpu.memref_slice %arg3[%add3A, %dma_start3A_15, %dma_start3A_16, %dma_start3A_17] : memref<32x2x80x125xi32, #tpu.memory_space<hbm>> -> memref<1x2x80x125xi32, #tpu.memory_space<hbm>>
      %dma_start3A_19 = tpu.memref_squeeze %dma_start3A_18 : memref<1x2x80x125xi32, #tpu.memory_space<hbm>> -> memref<2x80x125xi32, #tpu.memory_space<hbm>>
      tpu.enqueue_dma source(%dma_start3A_19 : memref<2x80x125xi32, #tpu.memory_space<hbm>>) target(%arg6 : memref<2x80x125xi32, #tpu.memory_space<vmem>>) target_semaphore(%run_scoped3A : memref<!tpu.dma_semaphore, #tpu.memory_space<semaphore_mem>>)
      %dma_wait3A = arith.constant 0 : i32
      %dma_wait3A_20 = arith.constant 0 : i32
      %dma_wait3A_21 = arith.constant 0 : i32
      %dma_wait3A_22 = tpu.memref_slice %arg3[%add3A, %dma_wait3A, %dma_wait3A_20, %dma_wait3A_21] : memref<32x2x80x125xi32, #tpu.memory_space<hbm>> -> memref<1x2x80x125xi32, #tpu.memory_space<hbm>>
      %dma_wait3A_23 = tpu.memref_squeeze %dma_wait3A_22 : memref<1x2x80x125xi32, #tpu.memory_space<hbm>> -> memref<2x80x125xi32, #tpu.memory_space<hbm>>
      %dma_wait3A_24 = arith.constant 0 : i32
      %dma_wait3A_25 = arith.constant 0 : i32
      %dma_wait3A_26 = arith.constant 0 : i32
      %dma_wait3A_27 = tpu.memref_slice %arg3[%add3A, %dma_wait3A_24, %dma_wait3A_25, %dma_wait3A_26] : memref<32x2x80x125xi32, #tpu.memory_space<hbm>> -> memref<1x2x80x125xi32, #tpu.memory_space<hbm>>
      %dma_wait3A_28 = tpu.memref_squeeze %dma_wait3A_27 : memref<1x2x80x125xi32, #tpu.memory_space<hbm>> -> memref<2x80x125xi32, #tpu.memory_space<hbm>>
      tpu.wait_dma2 semaphore(%run_scoped3A : memref<!tpu.dma_semaphore, #tpu.memory_space<semaphore_mem>>) src(%dma_wait3A_28 : memref<2x80x125xi32, #tpu.memory_space<hbm>>) dst(%arg6 : memref<2x80x125xi32, #tpu.memory_space<vmem>>)
      tpu.yield
    }) : () -> ()
    %mul3A_1 = arith.constant 640 : i32
    %mul3A_2 = arith.muli %arg1, %mul3A_1 : i32
    "tpu.region"() ({
      %run_scoped3A = tpu.sem_alloc : memref<!tpu.dma_semaphore, #tpu.memory_space<semaphore_mem>>
      %dma_start3A = arith.constant 0 : i32
      %dma_start3A_11 = tpu.memref_slice %arg9[%mul3A_2, %dma_start3A] : memref<10240x128xf32, #tpu.memory_space<vmem_shared>> -> memref<640x128xf32, #tpu.memory_space<vmem_shared>>
      %dma_start3A_12 = arith.constant 0 : i32
      %dma_start3A_13 = tpu.memref_slice %arg4[%mul3A_2, %dma_start3A_12] : memref<10240x128xf32, #tpu.memory_space<hbm>> -> memref<640x128xf32, #tpu.memory_space<hbm>>
      tpu.enqueue_dma source(%dma_start3A_13 : memref<640x128xf32, #tpu.memory_space<hbm>>) target(%dma_start3A_11 : memref<640x128xf32, #tpu.memory_space<vmem_shared>>) target_semaphore(%run_scoped3A : memref<!tpu.dma_semaphore, #tpu.memory_space<semaphore_mem>>)
      %dma_wait3A = arith.constant 0 : i32
      %dma_wait3A_14 = tpu.memref_slice %arg9[%mul3A_2, %dma_wait3A] : memref<10240x128xf32, #tpu.memory_space<vmem_shared>> -> memref<640x128xf32, #tpu.memory_space<vmem_shared>>
      %dma_wait3A_15 = arith.constant 0 : i32
      %dma_wait3A_16 = tpu.memref_slice %arg4[%mul3A_2, %dma_wait3A_15] : memref<10240x128xf32, #tpu.memory_space<hbm>> -> memref<640x128xf32, #tpu.memory_space<hbm>>
      tpu.wait_dma2 semaphore(%run_scoped3A : memref<!tpu.dma_semaphore, #tpu.memory_space<semaphore_mem>>) src(%dma_wait3A_16 : memref<640x128xf32, #tpu.memory_space<hbm>>) dst(%dma_wait3A_14 : memref<640x128xf32, #tpu.memory_space<vmem_shared>>)
      tpu.yield
    }) : () -> ()
    %barrier3A = arith.constant 0 : index
    tpu.barrier barrier_id(%barrier3A)
    %scan3A = arith.constant 0 : i32
    %scan3A_3 = arith.constant 0 : i32
    %scan3A_4 = arith.constant 1 : i32
    %scan3A_5 = arith.constant 0 : i32
    %scan3A_6 = arith.constant 80 : i32
    %scan3A_7 = arith.addi %scan3A_5, %scan3A_6 : i32
    %scan3A_8 = arith.constant 1 : i32
    scf.for %scan3A_11 = %scan3A_5 to %scan3A_7 step %scan3A_8  : i32 {
      %dma_start3A = arith.constant 0 : i32
      %dma_start3A_12 = arith.constant 0 : i32
      %dma_start3A_13 = tpu.memref_slice %arg6[%scan3A_3, %dma_start3A, %dma_start3A_12] : memref<2x80x125xi32, #tpu.memory_space<vmem>> -> memref<1x80x125xi32, #tpu.memory_space<vmem>>
      %dma_start3A_14 = tpu.memref_squeeze %dma_start3A_13 : memref<1x80x125xi32, #tpu.memory_space<vmem>> -> memref<80x125xi32, #tpu.memory_space<vmem>>
      %dma_start3A_15 = arith.constant 0 : i32
      %dma_start3A_16 = tpu.memref_slice %dma_start3A_14[%scan3A_11, %dma_start3A_15] : memref<80x125xi32, #tpu.memory_space<vmem>> -> memref<1x125xi32, #tpu.memory_space<vmem>>
      %dma_start3A_17 = tpu.memref_squeeze %dma_start3A_16 : memref<1x125xi32, #tpu.memory_space<vmem>> -> memref<125xi32, #tpu.memory_space<vmem>>
      %dma_start3A_18 = arith.constant 0 : i32
      %dma_start3A_19 = arith.constant 0 : i32
      %dma_start3A_20 = tpu.memref_slice %arg2[%dma_start3A_18, %dma_start3A_19] : memref<10240x128xf32, #tpu.memory_space<hbm>> -> memref<10240x128xf32, #tpu.memory_space<hbm>>
      tpu.enqueue_indirect_dma source(%dma_start3A_20 : memref<10240x128xf32, #tpu.memory_space<hbm>>) target(%arg7 : memref<125x128xf32, #tpu.memory_space<vmem>>) offsets(%dma_start3A_17 : memref<125xi32, #tpu.memory_space<vmem>>) semaphore(%arg8 : memref<!tpu.dma_semaphore, #tpu.memory_space<semaphore_mem>>)
      %dma_wait3A = arith.constant 0 : i32
      %dma_wait3A_21 = arith.constant 0 : i32
      %dma_wait3A_22 = tpu.memref_slice %arg6[%scan3A_3, %dma_wait3A, %dma_wait3A_21] : memref<2x80x125xi32, #tpu.memory_space<vmem>> -> memref<1x80x125xi32, #tpu.memory_space<vmem>>
      %dma_wait3A_23 = tpu.memref_squeeze %dma_wait3A_22 : memref<1x80x125xi32, #tpu.memory_space<vmem>> -> memref<80x125xi32, #tpu.memory_space<vmem>>
      %dma_wait3A_24 = arith.constant 0 : i32
      %dma_wait3A_25 = tpu.memref_slice %dma_wait3A_23[%scan3A_11, %dma_wait3A_24] : memref<80x125xi32, #tpu.memory_space<vmem>> -> memref<1x125xi32, #tpu.memory_space<vmem>>
      %dma_wait3A_26 = tpu.memref_squeeze %dma_wait3A_25 : memref<1x125xi32, #tpu.memory_space<vmem>> -> memref<125xi32, #tpu.memory_space<vmem>>
      %dma_wait3A_27 = arith.constant 0 : i32
      %dma_wait3A_28 = arith.constant 0 : i32
      %dma_wait3A_29 = tpu.memref_slice %arg2[%dma_wait3A_27, %dma_wait3A_28] : memref<10240x128xf32, #tpu.memory_space<hbm>> -> memref<10240x128xf32, #tpu.memory_space<hbm>>
      tpu.wait_indirect_dma semaphore(%arg8 : memref<!tpu.dma_semaphore, #tpu.memory_space<semaphore_mem>>) src(%dma_wait3A_29 : memref<10240x128xf32, #tpu.memory_space<hbm>>) dst(%arg7 : memref<125x128xf32, #tpu.memory_space<vmem>>)
      "tpu.region"() ({
        %run_scoped3A = tpu.sem_alloc : memref<!tpu.dma_semaphore, #tpu.memory_space<semaphore_mem>>
        %dma_start3A_30 = arith.constant 0 : i32
        %dma_start3A_31 = arith.constant 0 : i32
        %dma_start3A_32 = tpu.memref_slice %arg6[%scan3A_4, %dma_start3A_30, %dma_start3A_31] : memref<2x80x125xi32, #tpu.memory_space<vmem>> -> memref<1x80x125xi32, #tpu.memory_space<vmem>>
        %dma_start3A_33 = tpu.memref_squeeze %dma_start3A_32 : memref<1x80x125xi32, #tpu.memory_space<vmem>> -> memref<80x125xi32, #tpu.memory_space<vmem>>
        %dma_start3A_34 = arith.constant 0 : i32
        %dma_start3A_35 = tpu.memref_slice %dma_start3A_33[%scan3A_11, %dma_start3A_34] : memref<80x125xi32, #tpu.memory_space<vmem>> -> memref<1x125xi32, #tpu.memory_space<vmem>>
        %dma_start3A_36 = tpu.memref_squeeze %dma_start3A_35 : memref<1x125xi32, #tpu.memory_space<vmem>> -> memref<125xi32, #tpu.memory_space<vmem>>
        %dma_start3A_37 = arith.constant 0 : i32
        %dma_start3A_38 = arith.constant 0 : i32
        %dma_start3A_39 = tpu.memref_slice %arg9[%dma_start3A_37, %dma_start3A_38] : memref<10240x128xf32, #tpu.memory_space<vmem_shared>> -> memref<10240x128xf32, #tpu.memory_space<vmem_shared>>
        tpu.enqueue_indirect_dma source(%arg7 : memref<125x128xf32, #tpu.memory_space<vmem>>) target(%dma_start3A_39 : memref<10240x128xf32, #tpu.memory_space<vmem_shared>>) offsets(%dma_start3A_36 : memref<125xi32, #tpu.memory_space<vmem>>) semaphore(%run_scoped3A : memref<!tpu.dma_semaphore, #tpu.memory_space<semaphore_mem>>) {add = true}
        %dma_wait3A_40 = arith.constant 0 : i32
        %dma_wait3A_41 = arith.constant 0 : i32
        %dma_wait3A_42 = tpu.memref_slice %arg6[%scan3A_4, %dma_wait3A_40, %dma_wait3A_41] : memref<2x80x125xi32, #tpu.memory_space<vmem>> -> memref<1x80x125xi32, #tpu.memory_space<vmem>>
        %dma_wait3A_43 = tpu.memref_squeeze %dma_wait3A_42 : memref<1x80x125xi32, #tpu.memory_space<vmem>> -> memref<80x125xi32, #tpu.memory_space<vmem>>
        %dma_wait3A_44 = arith.constant 0 : i32
        %dma_wait3A_45 = tpu.memref_slice %dma_wait3A_43[%scan3A_11, %dma_wait3A_44] : memref<80x125xi32, #tpu.memory_space<vmem>> -> memref<1x125xi32, #tpu.memory_space<vmem>>
        %dma_wait3A_46 = tpu.memref_squeeze %dma_wait3A_45 : memref<1x125xi32, #tpu.memory_space<vmem>> -> memref<125xi32, #tpu.memory_space<vmem>>
        %dma_wait3A_47 = arith.constant 0 : i32
        %dma_wait3A_48 = arith.constant 0 : i32
        %dma_wait3A_49 = tpu.memref_slice %arg9[%dma_wait3A_47, %dma_wait3A_48] : memref<10240x128xf32, #tpu.memory_space<vmem_shared>> -> memref<10240x128xf32, #tpu.memory_space<vmem_shared>>
        tpu.wait_indirect_dma semaphore(%run_scoped3A : memref<!tpu.dma_semaphore, #tpu.memory_space<semaphore_mem>>) src(%arg7 : memref<125x128xf32, #tpu.memory_space<vmem>>) dst(%dma_wait3A_49 : memref<10240x128xf32, #tpu.memory_space<vmem_shared>>)
        tpu.yield
      }) : () -> ()
    }
    %scan3A_9 = arith.constant 80 : i32
    %barrier3A_10 = arith.constant 0 : index
    tpu.barrier barrier_id(%barrier3A_10)
    "tpu.region"() ({
      %run_scoped3A = tpu.sem_alloc : memref<!tpu.dma_semaphore, #tpu.memory_space<semaphore_mem>>
      %dma_start3A = arith.constant 0 : i32
      %dma_start3A_11 = arith.constant 0 : i32
      %dma_start3A_12 = tpu.memref_slice %arg5[%arg0, %dma_start3A, %dma_start3A_11] : memref<2x10240x128xf32, #tpu.memory_space<hbm>> -> memref<1x10240x128xf32, #tpu.memory_space<hbm>>
      %dma_start3A_13 = tpu.memref_squeeze %dma_start3A_12 : memref<1x10240x128xf32, #tpu.memory_space<hbm>> -> memref<10240x128xf32, #tpu.memory_space<hbm>>
      %dma_start3A_14 = arith.constant 0 : i32
      %dma_start3A_15 = tpu.memref_slice %dma_start3A_13[%mul3A_2, %dma_start3A_14] : memref<10240x128xf32, #tpu.memory_space<hbm>> -> memref<640x128xf32, #tpu.memory_space<hbm>>
      %dma_start3A_16 = arith.constant 0 : i32
      %dma_start3A_17 = tpu.memref_slice %arg9[%mul3A_2, %dma_start3A_16] : memref<10240x128xf32, #tpu.memory_space<vmem_shared>> -> memref<640x128xf32, #tpu.memory_space<vmem_shared>>
      tpu.enqueue_dma source(%dma_start3A_17 : memref<640x128xf32, #tpu.memory_space<vmem_shared>>) target(%dma_start3A_15 : memref<640x128xf32, #tpu.memory_space<hbm>>) target_semaphore(%run_scoped3A : memref<!tpu.dma_semaphore, #tpu.memory_space<semaphore_mem>>)
      %dma_wait3A = arith.constant 0 : i32
      %dma_wait3A_18 = arith.constant 0 : i32
      %dma_wait3A_19 = tpu.memref_slice %arg5[%arg0, %dma_wait3A, %dma_wait3A_18] : memref<2x10240x128xf32, #tpu.memory_space<hbm>> -> memref<1x10240x128xf32, #tpu.memory_space<hbm>>
      %dma_wait3A_20 = tpu.memref_squeeze %dma_wait3A_19 : memref<1x10240x128xf32, #tpu.memory_space<hbm>> -> memref<10240x128xf32, #tpu.memory_space<hbm>>
      %dma_wait3A_21 = arith.constant 0 : i32
      %dma_wait3A_22 = tpu.memref_slice %dma_wait3A_20[%mul3A_2, %dma_wait3A_21] : memref<10240x128xf32, #tpu.memory_space<hbm>> -> memref<640x128xf32, #tpu.memory_space<hbm>>
      %dma_wait3A_23 = arith.constant 0 : i32
      %dma_wait3A_24 = tpu.memref_slice %arg9[%mul3A_2, %dma_wait3A_23] : memref<10240x128xf32, #tpu.memory_space<vmem_shared>> -> memref<640x128xf32, #tpu.memory_space<vmem_shared>>
      tpu.wait_dma2 semaphore(%run_scoped3A : memref<!tpu.dma_semaphore, #tpu.memory_space<semaphore_mem>>) src(%dma_wait3A_24 : memref<640x128xf32, #tpu.memory_space<vmem_shared>>) dst(%dma_wait3A_22 : memref<640x128xf32, #tpu.memory_space<hbm>>)
      tpu.yield
    }) : () -> ()
    return
  }
}

#map = affine_map<(d0, d1) -> (0, 0)>
#map1 = affine_map<(d0, d1) -> (0, 0, 0, 0)>
#map2 = affine_map<(d0, d1) -> (0, 0, 0)>
module attributes {stable_mosaic.version = 14 : i64} {
  func.func @_sc_mp_body(%arg0: i32, %arg1: i32, %arg2: memref<10240x128xf32, #tpu.memory_space<hbm>>, %arg3: memref<32x2x80x125xi32, #tpu.memory_space<hbm>>, %arg4: memref<10240x128xf32, #tpu.memory_space<hbm>>, %arg5: memref<2x10240x128xf32, #tpu.memory_space<hbm>>, %arg6: memref<2x80x125xi32, #tpu.memory_space<vmem>>, %arg7: memref<125x128xf32, #tpu.memory_space<vmem>>, %arg8: memref<!tpu.dma_semaphore, #tpu.memory_space<semaphore_mem>>, %arg9: memref<10240x128xf32, #tpu.memory_space<vmem_shared>>) attributes {dimension_semantics = [#tpu.dimension_semantics<core_parallel>, #tpu.dimension_semantics<subcore_parallel>], iteration_bounds = array<i64: 2, 16>, scalar_prefetch = 0 : i64, scratch_operands = 4 : i64, tpu.core_type = #tpu.core_type<sc_vector_subcore>, window_params = [{transform_indices = #map}, {transform_indices = #map1}, {transform_indices = #map}, {transform_indices = #map2}]} {
    %mul3A = arith.constant 16 : i32
    %mul3A_0 = arith.muli %arg0, %mul3A : i32
    %add3A = arith.addi %mul3A_0, %arg1 : i32
    "tpu.region"() ({
      %run_scoped3A = tpu.sem_alloc : memref<!tpu.dma_semaphore, #tpu.memory_space<semaphore_mem>>
      %dma_start3A = arith.constant 0 : i32
      %dma_start3A_11 = arith.constant 0 : i32
      %dma_start3A_12 = arith.constant 0 : i32
      %dma_start3A_13 = tpu.memref_slice %arg3[%add3A, %dma_start3A, %dma_start3A_11, %dma_start3A_12] : memref<32x2x80x125xi32, #tpu.memory_space<hbm>> -> memref<1x2x80x125xi32, #tpu.memory_space<hbm>>
      %dma_start3A_14 = tpu.memref_squeeze %dma_start3A_13 : memref<1x2x80x125xi32, #tpu.memory_space<hbm>> -> memref<2x80x125xi32, #tpu.memory_space<hbm>>
      %dma_start3A_15 = arith.constant 0 : i32
      %dma_start3A_16 = arith.constant 0 : i32
      %dma_start3A_17 = arith.constant 0 : i32
      %dma_start3A_18 = tpu.memref_slice %arg3[%add3A, %dma_start3A_15, %dma_start3A_16, %dma_start3A_17] : memref<32x2x80x125xi32, #tpu.memory_space<hbm>> -> memref<1x2x80x125xi32, #tpu.memory_space<hbm>>
      %dma_start3A_19 = tpu.memref_squeeze %dma_start3A_18 : memref<1x2x80x125xi32, #tpu.memory_space<hbm>> -> memref<2x80x125xi32, #tpu.memory_space<hbm>>
      tpu.enqueue_dma source(%dma_start3A_19 : memref<2x80x125xi32, #tpu.memory_space<hbm>>) target(%arg6 : memref<2x80x125xi32, #tpu.memory_space<vmem>>) target_semaphore(%run_scoped3A : memref<!tpu.dma_semaphore, #tpu.memory_space<semaphore_mem>>)
      %dma_wait3A = arith.constant 0 : i32
      %dma_wait3A_20 = arith.constant 0 : i32
      %dma_wait3A_21 = arith.constant 0 : i32
      %dma_wait3A_22 = tpu.memref_slice %arg3[%add3A, %dma_wait3A, %dma_wait3A_20, %dma_wait3A_21] : memref<32x2x80x125xi32, #tpu.memory_space<hbm>> -> memref<1x2x80x125xi32, #tpu.memory_space<hbm>>
      %dma_wait3A_23 = tpu.memref_squeeze %dma_wait3A_22 : memref<1x2x80x125xi32, #tpu.memory_space<hbm>> -> memref<2x80x125xi32, #tpu.memory_space<hbm>>
      %dma_wait3A_24 = arith.constant 0 : i32
      %dma_wait3A_25 = arith.constant 0 : i32
      %dma_wait3A_26 = arith.constant 0 : i32
      %dma_wait3A_27 = tpu.memref_slice %arg3[%add3A, %dma_wait3A_24, %dma_wait3A_25, %dma_wait3A_26] : memref<32x2x80x125xi32, #tpu.memory_space<hbm>> -> memref<1x2x80x125xi32, #tpu.memory_space<hbm>>
      %dma_wait3A_28 = tpu.memref_squeeze %dma_wait3A_27 : memref<1x2x80x125xi32, #tpu.memory_space<hbm>> -> memref<2x80x125xi32, #tpu.memory_space<hbm>>
      tpu.wait_dma2 semaphore(%run_scoped3A : memref<!tpu.dma_semaphore, #tpu.memory_space<semaphore_mem>>) src(%dma_wait3A_28 : memref<2x80x125xi32, #tpu.memory_space<hbm>>) dst(%arg6 : memref<2x80x125xi32, #tpu.memory_space<vmem>>)
      tpu.yield
    }) : () -> ()
    %mul3A_1 = arith.constant 640 : i32
    %mul3A_2 = arith.muli %arg1, %mul3A_1 : i32
    "tpu.region"() ({
      %run_scoped3A = tpu.sem_alloc : memref<!tpu.dma_semaphore, #tpu.memory_space<semaphore_mem>>
      %dma_start3A = arith.constant 0 : i32
      %dma_start3A_11 = tpu.memref_slice %arg9[%mul3A_2, %dma_start3A] : memref<10240x128xf32, #tpu.memory_space<vmem_shared>> -> memref<640x128xf32, #tpu.memory_space<vmem_shared>>
      %dma_start3A_12 = arith.constant 0 : i32
      %dma_start3A_13 = tpu.memref_slice %arg4[%mul3A_2, %dma_start3A_12] : memref<10240x128xf32, #tpu.memory_space<hbm>> -> memref<640x128xf32, #tpu.memory_space<hbm>>
      tpu.enqueue_dma source(%dma_start3A_13 : memref<640x128xf32, #tpu.memory_space<hbm>>) target(%dma_start3A_11 : memref<640x128xf32, #tpu.memory_space<vmem_shared>>) target_semaphore(%run_scoped3A : memref<!tpu.dma_semaphore, #tpu.memory_space<semaphore_mem>>)
      %dma_wait3A = arith.constant 0 : i32
      %dma_wait3A_14 = tpu.memref_slice %arg9[%mul3A_2, %dma_wait3A] : memref<10240x128xf32, #tpu.memory_space<vmem_shared>> -> memref<640x128xf32, #tpu.memory_space<vmem_shared>>
      %dma_wait3A_15 = arith.constant 0 : i32
      %dma_wait3A_16 = tpu.memref_slice %arg4[%mul3A_2, %dma_wait3A_15] : memref<10240x128xf32, #tpu.memory_space<hbm>> -> memref<640x128xf32, #tpu.memory_space<hbm>>
      tpu.wait_dma2 semaphore(%run_scoped3A : memref<!tpu.dma_semaphore, #tpu.memory_space<semaphore_mem>>) src(%dma_wait3A_16 : memref<640x128xf32, #tpu.memory_space<hbm>>) dst(%dma_wait3A_14 : memref<640x128xf32, #tpu.memory_space<vmem_shared>>)
      tpu.yield
    }) : () -> ()
    %barrier3A = arith.constant 0 : index
    tpu.barrier barrier_id(%barrier3A)
    %scan3A = arith.constant 0 : i32
    %scan3A_3 = arith.constant 0 : i32
    %scan3A_4 = arith.constant 1 : i32
    %scan3A_5 = arith.constant 0 : i32
    %scan3A_6 = arith.constant 80 : i32
    %scan3A_7 = arith.addi %scan3A_5, %scan3A_6 : i32
    %scan3A_8 = arith.constant 1 : i32
    scf.for %scan3A_11 = %scan3A_5 to %scan3A_7 step %scan3A_8  : i32 {
      %dma_start3A = arith.constant 0 : i32
      %dma_start3A_12 = arith.constant 0 : i32
      %dma_start3A_13 = tpu.memref_slice %arg6[%scan3A_3, %dma_start3A, %dma_start3A_12] : memref<2x80x125xi32, #tpu.memory_space<vmem>> -> memref<1x80x125xi32, #tpu.memory_space<vmem>>
      %dma_start3A_14 = tpu.memref_squeeze %dma_start3A_13 : memref<1x80x125xi32, #tpu.memory_space<vmem>> -> memref<80x125xi32, #tpu.memory_space<vmem>>
      %dma_start3A_15 = arith.constant 0 : i32
      %dma_start3A_16 = tpu.memref_slice %dma_start3A_14[%scan3A_11, %dma_start3A_15] : memref<80x125xi32, #tpu.memory_space<vmem>> -> memref<1x125xi32, #tpu.memory_space<vmem>>
      %dma_start3A_17 = tpu.memref_squeeze %dma_start3A_16 : memref<1x125xi32, #tpu.memory_space<vmem>> -> memref<125xi32, #tpu.memory_space<vmem>>
      %dma_start3A_18 = arith.constant 0 : i32
      %dma_start3A_19 = arith.constant 0 : i32
      %dma_start3A_20 = tpu.memref_slice %arg2[%dma_start3A_18, %dma_start3A_19] : memref<10240x128xf32, #tpu.memory_space<hbm>> -> memref<10240x128xf32, #tpu.memory_space<hbm>>
      tpu.enqueue_indirect_dma source(%dma_start3A_20 : memref<10240x128xf32, #tpu.memory_space<hbm>>) target(%arg7 : memref<125x128xf32, #tpu.memory_space<vmem>>) offsets(%dma_start3A_17 : memref<125xi32, #tpu.memory_space<vmem>>) semaphore(%arg8 : memref<!tpu.dma_semaphore, #tpu.memory_space<semaphore_mem>>)
      %dma_wait3A = arith.constant 0 : i32
      %dma_wait3A_21 = arith.constant 0 : i32
      %dma_wait3A_22 = tpu.memref_slice %arg6[%scan3A_3, %dma_wait3A, %dma_wait3A_21] : memref<2x80x125xi32, #tpu.memory_space<vmem>> -> memref<1x80x125xi32, #tpu.memory_space<vmem>>
      %dma_wait3A_23 = tpu.memref_squeeze %dma_wait3A_22 : memref<1x80x125xi32, #tpu.memory_space<vmem>> -> memref<80x125xi32, #tpu.memory_space<vmem>>
      %dma_wait3A_24 = arith.constant 0 : i32
      %dma_wait3A_25 = tpu.memref_slice %dma_wait3A_23[%scan3A_11, %dma_wait3A_24] : memref<80x125xi32, #tpu.memory_space<vmem>> -> memref<1x125xi32, #tpu.memory_space<vmem>>
      %dma_wait3A_26 = tpu.memref_squeeze %dma_wait3A_25 : memref<1x125xi32, #tpu.memory_space<vmem>> -> memref<125xi32, #tpu.memory_space<vmem>>
      %dma_wait3A_27 = arith.constant 0 : i32
      %dma_wait3A_28 = arith.constant 0 : i32
      %dma_wait3A_29 = tpu.memref_slice %arg2[%dma_wait3A_27, %dma_wait3A_28] : memref<10240x128xf32, #tpu.memory_space<hbm>> -> memref<10240x128xf32, #tpu.memory_space<hbm>>
      tpu.wait_indirect_dma semaphore(%arg8 : memref<!tpu.dma_semaphore, #tpu.memory_space<semaphore_mem>>) src(%dma_wait3A_29 : memref<10240x128xf32, #tpu.memory_space<hbm>>) dst(%arg7 : memref<125x128xf32, #tpu.memory_space<vmem>>)
      "tpu.region"() ({
        %run_scoped3A = tpu.sem_alloc : memref<!tpu.dma_semaphore, #tpu.memory_space<semaphore_mem>>
        %dma_start3A_30 = arith.constant 0 : i32
        %dma_start3A_31 = arith.constant 0 : i32
        %dma_start3A_32 = tpu.memref_slice %arg6[%scan3A_4, %dma_start3A_30, %dma_start3A_31] : memref<2x80x125xi32, #tpu.memory_space<vmem>> -> memref<1x80x125xi32, #tpu.memory_space<vmem>>
        %dma_start3A_33 = tpu.memref_squeeze %dma_start3A_32 : memref<1x80x125xi32, #tpu.memory_space<vmem>> -> memref<80x125xi32, #tpu.memory_space<vmem>>
        %dma_start3A_34 = arith.constant 0 : i32
        %dma_start3A_35 = tpu.memref_slice %dma_start3A_33[%scan3A_11, %dma_start3A_34] : memref<80x125xi32, #tpu.memory_space<vmem>> -> memref<1x125xi32, #tpu.memory_space<vmem>>
        %dma_start3A_36 = tpu.memref_squeeze %dma_start3A_35 : memref<1x125xi32, #tpu.memory_space<vmem>> -> memref<125xi32, #tpu.memory_space<vmem>>
        %dma_start3A_37 = arith.constant 0 : i32
        %dma_start3A_38 = arith.constant 0 : i32
        %dma_start3A_39 = tpu.memref_slice %arg9[%dma_start3A_37, %dma_start3A_38] : memref<10240x128xf32, #tpu.memory_space<vmem_shared>> -> memref<10240x128xf32, #tpu.memory_space<vmem_shared>>
        tpu.enqueue_indirect_dma source(%arg7 : memref<125x128xf32, #tpu.memory_space<vmem>>) target(%dma_start3A_39 : memref<10240x128xf32, #tpu.memory_space<vmem_shared>>) offsets(%dma_start3A_36 : memref<125xi32, #tpu.memory_space<vmem>>) semaphore(%run_scoped3A : memref<!tpu.dma_semaphore, #tpu.memory_space<semaphore_mem>>) {add = true}
        %dma_wait3A_40 = arith.constant 0 : i32
        %dma_wait3A_41 = arith.constant 0 : i32
        %dma_wait3A_42 = tpu.memref_slice %arg6[%scan3A_4, %dma_wait3A_40, %dma_wait3A_41] : memref<2x80x125xi32, #tpu.memory_space<vmem>> -> memref<1x80x125xi32, #tpu.memory_space<vmem>>
        %dma_wait3A_43 = tpu.memref_squeeze %dma_wait3A_42 : memref<1x80x125xi32, #tpu.memory_space<vmem>> -> memref<80x125xi32, #tpu.memory_space<vmem>>
        %dma_wait3A_44 = arith.constant 0 : i32
        %dma_wait3A_45 = tpu.memref_slice %dma_wait3A_43[%scan3A_11, %dma_wait3A_44] : memref<80x125xi32, #tpu.memory_space<vmem>> -> memref<1x125xi32, #tpu.memory_space<vmem>>
        %dma_wait3A_46 = tpu.memref_squeeze %dma_wait3A_45 : memref<1x125xi32, #tpu.memory_space<vmem>> -> memref<125xi32, #tpu.memory_space<vmem>>
        %dma_wait3A_47 = arith.constant 0 : i32
        %dma_wait3A_48 = arith.constant 0 : i32
        %dma_wait3A_49 = tpu.memref_slice %arg9[%dma_wait3A_47, %dma_wait3A_48] : memref<10240x128xf32, #tpu.memory_space<vmem_shared>> -> memref<10240x128xf32, #tpu.memory_space<vmem_shared>>
        tpu.wait_indirect_dma semaphore(%run_scoped3A : memref<!tpu.dma_semaphore, #tpu.memory_space<semaphore_mem>>) src(%arg7 : memref<125x128xf32, #tpu.memory_space<vmem>>) dst(%dma_wait3A_49 : memref<10240x128xf32, #tpu.memory_space<vmem_shared>>)
        tpu.yield
      }) : () -> ()
    }
    %scan3A_9 = arith.constant 80 : i32
    %barrier3A_10 = arith.constant 0 : index
    tpu.barrier barrier_id(%barrier3A_10)
    "tpu.region"() ({
      %run_scoped3A = tpu.sem_alloc : memref<!tpu.dma_semaphore, #tpu.memory_space<semaphore_mem>>
      %dma_start3A = arith.constant 0 : i32
      %dma_start3A_11 = arith.constant 0 : i32
      %dma_start3A_12 = tpu.memref_slice %arg5[%arg0, %dma_start3A, %dma_start3A_11] : memref<2x10240x128xf32, #tpu.memory_space<hbm>> -> memref<1x10240x128xf32, #tpu.memory_space<hbm>>
      %dma_start3A_13 = tpu.memref_squeeze %dma_start3A_12 : memref<1x10240x128xf32, #tpu.memory_space<hbm>> -> memref<10240x128xf32, #tpu.memory_space<hbm>>
      %dma_start3A_14 = arith.constant 0 : i32
      %dma_start3A_15 = tpu.memref_slice %dma_start3A_13[%mul3A_2, %dma_start3A_14] : memref<10240x128xf32, #tpu.memory_space<hbm>> -> memref<640x128xf32, #tpu.memory_space<hbm>>
      %dma_start3A_16 = arith.constant 0 : i32
      %dma_start3A_17 = tpu.memref_slice %arg9[%mul3A_2, %dma_start3A_16] : memref<10240x128xf32, #tpu.memory_space<vmem_shared>> -> memref<640x128xf32, #tpu.memory_space<vmem_shared>>
      tpu.enqueue_dma source(%dma_start3A_17 : memref<640x128xf32, #tpu.memory_space<vmem_shared>>) target(%dma_start3A_15 : memref<640x128xf32, #tpu.memory_space<hbm>>) target_semaphore(%run_scoped3A : memref<!tpu.dma_semaphore, #tpu.memory_space<semaphore_mem>>)
      %dma_wait3A = arith.constant 0 : i32
      %dma_wait3A_18 = arith.constant 0 : i32
      %dma_wait3A_19 = tpu.memref_slice %arg5[%arg0, %dma_wait3A, %dma_wait3A_18] : memref<2x10240x128xf32, #tpu.memory_space<hbm>> -> memref<1x10240x128xf32, #tpu.memory_space<hbm>>
      %dma_wait3A_20 = tpu.memref_squeeze %dma_wait3A_19 : memref<1x10240x128xf32, #tpu.memory_space<hbm>> -> memref<10240x128xf32, #tpu.memory_space<hbm>>
      %dma_wait3A_21 = arith.constant 0 : i32
      %dma_wait3A_22 = tpu.memref_slice %dma_wait3A_20[%mul3A_2, %dma_wait3A_21] : memref<10240x128xf32, #tpu.memory_space<hbm>> -> memref<640x128xf32, #tpu.memory_space<hbm>>
      %dma_wait3A_23 = arith.constant 0 : i32
      %dma_wait3A_24 = tpu.memref_slice %arg9[%mul3A_2, %dma_wait3A_23] : memref<10240x128xf32, #tpu.memory_space<vmem_shared>> -> memref<640x128xf32, #tpu.memory_space<vmem_shared>>
      tpu.wait_dma2 semaphore(%run_scoped3A : memref<!tpu.dma_semaphore, #tpu.memory_space<semaphore_mem>>) src(%dma_wait3A_24 : memref<640x128xf32, #tpu.memory_space<vmem_shared>>) dst(%dma_wait3A_22 : memref<640x128xf32, #tpu.memory_space<hbm>>)
      tpu.yield
    }) : () -> ()
    return
  }
}

module attributes {stable_mosaic.version = 14 : i64} {
  func.func @_tc_mid_body(%arg0: i32, %arg1: memref<2x2048x128xf32, #tpu.memory_space<vmem>>, %arg2: memref<2048x128xf32, #tpu.memory_space<vmem>>, %arg3: memref<2048x1xf32, #tpu.memory_space<vmem>>, %arg4: memref<1x128xf32, #tpu.memory_space<vmem>>, %arg5: memref<128x128xf32, #tpu.memory_space<vmem>>, %arg6: memref<2048x128xf32, #tpu.memory_space<vmem>>) attributes {dimension_semantics = [#tpu.dimension_semantics<arbitrary>], iteration_bounds = array<i64: 5>, scalar_prefetch = 0 : i64, scratch_operands = 0 : i64, tpu.core_type = #tpu.core_type<tc>, window_params = [{transform_indices = @transform_0, window_bounds = array<i64: 2, 2048, 128>}, {transform_indices = @transform_1, window_bounds = array<i64: 2048, 128>}, {transform_indices = @transform_2, window_bounds = array<i64: 2048, 1>}, {pipeline_mode = #tpu.pipeline_mode<synchronous>, transform_indices = @transform_3, window_bounds = array<i64: 1, 128>}, {pipeline_mode = #tpu.pipeline_mode<synchronous>, transform_indices = @transform_4, window_bounds = array<i64: 128, 128>}, {transform_indices = @transform_5, window_bounds = array<i64: 2048, 128>}]} {
    %get3A = arith.constant 0 : index
    %get3A_0 = arith.constant 0 : index
    %get3A_1 = vector.load %arg3[%get3A, %get3A_0] : memref<2048x1xf32, #tpu.memory_space<vmem>>, vector<2048x1xf32>
    %get3A_2 = arith.constant 0 : index
    %get3A_3 = arith.constant 0 : index
    %get3A_4 = arith.constant 0 : index
    %get3A_5 = vector.load %arg1[%get3A_2, %get3A_3, %get3A_4] : memref<2x2048x128xf32, #tpu.memory_space<vmem>>, vector<1x2048x128xf32>
    %get3A_6 = vector.shape_cast %get3A_5 : vector<1x2048x128xf32> to vector<2048x128xf32>
    %get3A_7 = arith.constant 1 : index
    %get3A_8 = arith.constant 0 : index
    %get3A_9 = arith.constant 0 : index
    %get3A_10 = vector.load %arg1[%get3A_7, %get3A_8, %get3A_9] : memref<2x2048x128xf32, #tpu.memory_space<vmem>>, vector<1x2048x128xf32>
    %get3A_11 = vector.shape_cast %get3A_10 : vector<1x2048x128xf32> to vector<2048x128xf32>
    %add3A = arith.addf %get3A_6, %get3A_11 : vector<2048x128xf32>
    %get3A_12 = arith.constant 0 : index
    %get3A_13 = arith.constant 0 : index
    %get3A_14 = vector.load %arg2[%get3A_12, %get3A_13] : memref<2048x128xf32, #tpu.memory_space<vmem>>, vector<2048x128xf32>
    %add3A_15 = arith.addf %add3A, %get3A_14 : vector<2048x128xf32>
    %mul3A = vector.broadcast %get3A_1 : vector<2048x1xf32> to vector<2048x128xf32>
    %mul3A_16 = arith.mulf %mul3A, %add3A_15 : vector<2048x128xf32>
    %get3A_17 = arith.constant 0 : index
    %get3A_18 = arith.constant 0 : index
    %get3A_19 = vector.load %arg4[%get3A_17, %get3A_18] : memref<1x128xf32, #tpu.memory_space<vmem>>, vector<1x128xf32>
    %add3A_20 = vector.broadcast %get3A_19 : vector<1x128xf32> to vector<2048x128xf32>
    %add3A_21 = arith.addf %mul3A_16, %add3A_20 : vector<2048x128xf32>
    %convert_element_type3A = arith.truncf %add3A_21 : vector<2048x128xf32> to vector<2048x128xbf16>
    %get3A_22 = arith.constant 0 : index
    %get3A_23 = arith.constant 0 : index
    %get3A_24 = vector.load %arg5[%get3A_22, %get3A_23] : memref<128x128xf32, #tpu.memory_space<vmem>>, vector<128x128xf32>
    %convert_element_type3A_25 = arith.truncf %get3A_24 : vector<128x128xf32> to vector<128x128xbf16>
    %dot_general3A = arith.constant dense<0.000000e+00> : vector<2048x128xf32>
    %dot_general3A_26 = tpu.matmul %convert_element_type3A, %convert_element_type3A_25, %dot_general3A {dimension_numbers = #tpu.dot_dimension_numbers<[1], [0], [0], [1], [0, 0, 1, 1], [], []>, transpose_lhs_hint = false} : vector<2048x128xbf16>, vector<128x128xbf16>, vector<2048x128xf32> -> vector<2048x128xf32>
    %mul3A_27 = vector.broadcast %get3A_1 : vector<2048x1xf32> to vector<2048x128xf32>
    %mul3A_28 = arith.mulf %mul3A_27, %dot_general3A_26 : vector<2048x128xf32>
    %swap3A = arith.constant 0 : index
    %swap3A_29 = arith.constant 0 : index
    %swap3A_30 = vector.load %arg6[%swap3A, %swap3A_29] : memref<2048x128xf32, #tpu.memory_space<vmem>>, vector<2048x128xf32>
    tpu.vector_store %arg6[%swap3A, %swap3A_29], %mul3A_28 {strides = array<i32>} : memref<2048x128xf32, #tpu.memory_space<vmem>>, vector<2048x128xf32>,
    return
  }
  func.func @transform_0(%arg0: i32) -> (i32, i32, i32) {
    %c0_i32 = arith.constant 0 : i32
    %c0_i32_0 = arith.constant 0 : i32
    %c0_i32_1 = arith.constant 0 : i32
    return %c0_i32, %arg0, %c0_i32_0 : i32, i32, i32
  }
  func.func @transform_1(%arg0: i32) -> (i32, i32) {
    %c0_i32 = arith.constant 0 : i32
    %c0_i32_0 = arith.constant 0 : i32
    return %arg0, %c0_i32 : i32, i32
  }
  func.func @transform_2(%arg0: i32) -> (i32, i32) {
    %c0_i32 = arith.constant 0 : i32
    %c0_i32_0 = arith.constant 0 : i32
    return %arg0, %c0_i32 : i32, i32
  }
  func.func @transform_3(%arg0: i32) -> (i32, i32) {
    %c0_i32 = arith.constant 0 : i32
    %c0_i32_0 = arith.constant 0 : i32
    %c0_i32_1 = arith.constant 0 : i32
    return %c0_i32, %c0_i32_0 : i32, i32
  }
  func.func @transform_4(%arg0: i32) -> (i32, i32) {
    %c0_i32 = arith.constant 0 : i32
    %c0_i32_0 = arith.constant 0 : i32
    %c0_i32_1 = arith.constant 0 : i32
    return %c0_i32, %c0_i32_0 : i32, i32
  }
  func.func @transform_5(%arg0: i32) -> (i32, i32) {
    %c0_i32 = arith.constant 0 : i32
    %c0_i32_0 = arith.constant 0 : i32
    return %arg0, %c0_i32 : i32, i32
  }
}

module attributes {stable_mosaic.version = 14 : i64} {
  func.func @_tc0_body(%arg0: i32, %arg1: memref<2x2048x128xf32, #tpu.memory_space<vmem>>, %arg2: memref<2048x1xf32, #tpu.memory_space<vmem>>, %arg3: memref<1x128xf32, #tpu.memory_space<vmem>>, %arg4: memref<1x128xf32, #tpu.memory_space<vmem>>, %arg5: memref<128x128xf32, #tpu.memory_space<vmem>>, %arg6: memref<2048x128xf32, #tpu.memory_space<vmem>>, %arg7: memref<2048x1xf32, #tpu.memory_space<vmem>>) attributes {dimension_semantics = [#tpu.dimension_semantics<arbitrary>], iteration_bounds = array<i64: 5>, scalar_prefetch = 0 : i64, scratch_operands = 0 : i64, tpu.core_type = #tpu.core_type<tc>, window_params = [{transform_indices = @transform_0, window_bounds = array<i64: 2, 2048, 128>}, {transform_indices = @transform_1, window_bounds = array<i64: 2048, 1>}, {pipeline_mode = #tpu.pipeline_mode<synchronous>, transform_indices = @transform_2, window_bounds = array<i64: 1, 128>}, {pipeline_mode = #tpu.pipeline_mode<synchronous>, transform_indices = @transform_3, window_bounds = array<i64: 1, 128>}, {pipeline_mode = #tpu.pipeline_mode<synchronous>, transform_indices = @transform_4, window_bounds = array<i64: 128, 128>}, {transform_indices = @transform_5, window_bounds = array<i64: 2048, 128>}, {transform_indices = @transform_6, window_bounds = array<i64: 2048, 1>}]} {
    %get3A = arith.constant 0 : index
    %get3A_0 = arith.constant 0 : index
    %get3A_1 = arith.constant 0 : index
    %get3A_2 = vector.load %arg1[%get3A, %get3A_0, %get3A_1] : memref<2x2048x128xf32, #tpu.memory_space<vmem>>, vector<1x2048x128xf32>
    %get3A_3 = vector.shape_cast %get3A_2 : vector<1x2048x128xf32> to vector<2048x128xf32>
    %slice3A = vector.extract_strided_slice %get3A_3 {offsets = [0, 0], sizes = [2048, 1], strides = [1, 1]} : vector<2048x128xf32> to vector<2048x1xf32>
    %get3A_4 = arith.constant 1 : index
    %get3A_5 = arith.constant 0 : index
    %get3A_6 = arith.constant 0 : index
    %get3A_7 = vector.load %arg1[%get3A_4, %get3A_5, %get3A_6] : memref<2x2048x128xf32, #tpu.memory_space<vmem>>, vector<1x2048x128xf32>
    %get3A_8 = vector.shape_cast %get3A_7 : vector<1x2048x128xf32> to vector<2048x128xf32>
    %slice3A_9 = vector.extract_strided_slice %get3A_8 {offsets = [0, 0], sizes = [2048, 1], strides = [1, 1]} : vector<2048x128xf32> to vector<2048x1xf32>
    %add3A = arith.addf %slice3A, %slice3A_9 : vector<2048x1xf32>
    %add3A_10 = arith.constant 1.000000e+00 : f32
    %add3A_11 = vector.broadcast %add3A_10 : f32 to vector<2048x1xf32>
    %add3A_12 = arith.addf %add3A, %add3A_11 : vector<2048x1xf32>
    %sqrt3A = math.sqrt %add3A_12 : vector<2048x1xf32>
    %div3A = arith.constant 1.000000e+00 : f32
    %div3A_13 = vector.broadcast %div3A : f32 to vector<2048x1xf32>
    %div3A_14 = arith.divf %div3A_13, %sqrt3A : vector<2048x1xf32>
    %get3A_15 = arith.constant 0 : index
    %get3A_16 = arith.constant 0 : index
    %get3A_17 = vector.load %arg2[%get3A_15, %get3A_16] : memref<2048x1xf32, #tpu.memory_space<vmem>>, vector<2048x1xf32>
    %get3A_18 = arith.constant 0 : index
    %get3A_19 = arith.constant 0 : index
    %get3A_20 = vector.load %arg3[%get3A_18, %get3A_19] : memref<1x128xf32, #tpu.memory_space<vmem>>, vector<1x128xf32>
    %mul3A = vector.broadcast %get3A_17 : vector<2048x1xf32> to vector<2048x128xf32>
    %mul3A_21 = vector.broadcast %get3A_20 : vector<1x128xf32> to vector<2048x128xf32>
    %mul3A_22 = arith.mulf %mul3A, %mul3A_21 : vector<2048x128xf32>
    %get3A_23 = arith.constant 0 : index
    %get3A_24 = arith.constant 0 : index
    %get3A_25 = vector.load %arg4[%get3A_23, %get3A_24] : memref<1x128xf32, #tpu.memory_space<vmem>>, vector<1x128xf32>
    %add3A_26 = vector.broadcast %get3A_25 : vector<1x128xf32> to vector<2048x128xf32>
    %add3A_27 = arith.addf %mul3A_22, %add3A_26 : vector<2048x128xf32>
    %convert_element_type3A = arith.truncf %add3A_27 : vector<2048x128xf32> to vector<2048x128xbf16>
    %get3A_28 = arith.constant 0 : index
    %get3A_29 = arith.constant 0 : index
    %get3A_30 = vector.load %arg5[%get3A_28, %get3A_29] : memref<128x128xf32, #tpu.memory_space<vmem>>, vector<128x128xf32>
    %convert_element_type3A_31 = arith.truncf %get3A_30 : vector<128x128xf32> to vector<128x128xbf16>
    %dot_general3A = arith.constant dense<0.000000e+00> : vector<2048x128xf32>
    %dot_general3A_32 = tpu.matmul %convert_element_type3A, %convert_element_type3A_31, %dot_general3A {dimension_numbers = #tpu.dot_dimension_numbers<[1], [0], [0], [1], [0, 0, 1, 1], [], []>, transpose_lhs_hint = false} : vector<2048x128xbf16>, vector<128x128xbf16>, vector<2048x128xf32> -> vector<2048x128xf32>
    %mul3A_33 = vector.broadcast %div3A_14 : vector<2048x1xf32> to vector<2048x128xf32>
    %mul3A_34 = arith.mulf %mul3A_33, %dot_general3A_32 : vector<2048x128xf32>
    %swap3A = arith.constant 0 : index
    %swap3A_35 = arith.constant 0 : index
    %swap3A_36 = vector.load %arg6[%swap3A, %swap3A_35] : memref<2048x128xf32, #tpu.memory_space<vmem>>, vector<2048x128xf32>
    tpu.vector_store %arg6[%swap3A, %swap3A_35], %mul3A_34 {strides = array<i32>} : memref<2048x128xf32, #tpu.memory_space<vmem>>, vector<2048x128xf32>,
    %swap3A_37 = arith.constant 0 : index
    %swap3A_38 = arith.constant 0 : index
    %swap3A_39 = vector.load %arg7[%swap3A_37, %swap3A_38] : memref<2048x1xf32, #tpu.memory_space<vmem>>, vector<2048x1xf32>
    tpu.vector_store %arg7[%swap3A_37, %swap3A_38], %div3A_14 {strides = array<i32>} : memref<2048x1xf32, #tpu.memory_space<vmem>>, vector<2048x1xf32>,
    return
  }
  func.func @transform_0(%arg0: i32) -> (i32, i32, i32) {
    %c0_i32 = arith.constant 0 : i32
    %c0_i32_0 = arith.constant 0 : i32
    %c0_i32_1 = arith.constant 0 : i32
    return %c0_i32, %arg0, %c0_i32_0 : i32, i32, i32
  }
  func.func @transform_1(%arg0: i32) -> (i32, i32) {
    %c0_i32 = arith.constant 0 : i32
    %c0_i32_0 = arith.constant 0 : i32
    return %arg0, %c0_i32 : i32, i32
  }
  func.func @transform_2(%arg0: i32) -> (i32, i32) {
    %c0_i32 = arith.constant 0 : i32
    %c0_i32_0 = arith.constant 0 : i32
    %c0_i32_1 = arith.constant 0 : i32
    return %c0_i32, %c0_i32_0 : i32, i32
  }
  func.func @transform_3(%arg0: i32) -> (i32, i32) {
    %c0_i32 = arith.constant 0 : i32
    %c0_i32_0 = arith.constant 0 : i32
    %c0_i32_1 = arith.constant 0 : i32
    return %c0_i32, %c0_i32_0 : i32, i32
  }
  func.func @transform_4(%arg0: i32) -> (i32, i32) {
    %c0_i32 = arith.constant 0 : i32
    %c0_i32_0 = arith.constant 0 : i32
    %c0_i32_1 = arith.constant 0 : i32
    return %c0_i32, %c0_i32_0 : i32, i32
  }
  func.func @transform_5(%arg0: i32) -> (i32, i32) {
    %c0_i32 = arith.constant 0 : i32
    %c0_i32_0 = arith.constant 0 : i32
    return %arg0, %c0_i32 : i32, i32
  }
  func.func @transform_6(%arg0: i32) -> (i32, i32) {
    %c0_i32 = arith.constant 0 : i32
    %c0_i32_0 = arith.constant 0 : i32
    return %arg0, %c0_i32 : i32, i32
  }
}

module attributes {stable_mosaic.version = 14 : i64} {
  func.func @_tc_fin_body(%arg0: i32, %arg1: memref<2x2048x128xf32, #tpu.memory_space<vmem>>, %arg2: memref<2048x128xf32, #tpu.memory_space<vmem>>, %arg3: memref<2048x1xf32, #tpu.memory_space<vmem>>, %arg4: memref<1x128xf32, #tpu.memory_space<vmem>>, %arg5: memref<2048x1xi32, #tpu.memory_space<vmem>>, %arg6: memref<128x128xf32, #tpu.memory_space<vmem>>, %arg7: memref<1x128xf32, #tpu.memory_space<vmem>>, %arg8: memref<128x1xf32, #tpu.memory_space<vmem>>, %arg9: memref<1x1xf32, #tpu.memory_space<vmem>>, %arg10: memref<32x1xf32, #tpu.memory_space<vmem>>, %arg11: memref<32x128xf32, #tpu.memory_space<vmem>>) attributes {dimension_semantics = [#tpu.dimension_semantics<arbitrary>], iteration_bounds = array<i64: 5>, scalar_prefetch = 0 : i64, scratch_operands = 1 : i64, tpu.core_type = #tpu.core_type<tc>, window_params = [{transform_indices = @transform_0, window_bounds = array<i64: 2, 2048, 128>}, {transform_indices = @transform_1, window_bounds = array<i64: 2048, 128>}, {transform_indices = @transform_2, window_bounds = array<i64: 2048, 1>}, {pipeline_mode = #tpu.pipeline_mode<synchronous>, transform_indices = @transform_3, window_bounds = array<i64: 1, 128>}, {transform_indices = @transform_4, window_bounds = array<i64: 2048, 1>}, {pipeline_mode = #tpu.pipeline_mode<synchronous>, transform_indices = @transform_5, window_bounds = array<i64: 128, 128>}, {pipeline_mode = #tpu.pipeline_mode<synchronous>, transform_indices = @transform_6, window_bounds = array<i64: 1, 128>}, {pipeline_mode = #tpu.pipeline_mode<synchronous>, transform_indices = @transform_7, window_bounds = array<i64: 128, 1>}, {pipeline_mode = #tpu.pipeline_mode<synchronous>, transform_indices = @transform_8, window_bounds = array<i64: 1, 1>}, {pipeline_mode = #tpu.pipeline_mode<synchronous>, transform_indices = @transform_9, window_bounds = array<i64: 32, 1>}]} {
    %get3A = arith.constant 0 : index
    %get3A_0 = arith.constant 0 : index
    %get3A_1 = vector.load %arg3[%get3A, %get3A_0] : memref<2048x1xf32, #tpu.memory_space<vmem>>, vector<2048x1xf32>
    %get3A_2 = arith.constant 0 : index
    %get3A_3 = arith.constant 0 : index
    %get3A_4 = arith.constant 0 : index
    %get3A_5 = vector.load %arg1[%get3A_2, %get3A_3, %get3A_4] : memref<2x2048x128xf32, #tpu.memory_space<vmem>>, vector<1x2048x128xf32>
    %get3A_6 = vector.shape_cast %get3A_5 : vector<1x2048x128xf32> to vector<2048x128xf32>
    %get3A_7 = arith.constant 1 : index
    %get3A_8 = arith.constant 0 : index
    %get3A_9 = arith.constant 0 : index
    %get3A_10 = vector.load %arg1[%get3A_7, %get3A_8, %get3A_9] : memref<2x2048x128xf32, #tpu.memory_space<vmem>>, vector<1x2048x128xf32>
    %get3A_11 = vector.shape_cast %get3A_10 : vector<1x2048x128xf32> to vector<2048x128xf32>
    %add3A = arith.addf %get3A_6, %get3A_11 : vector<2048x128xf32>
    %get3A_12 = arith.constant 0 : index
    %get3A_13 = arith.constant 0 : index
    %get3A_14 = vector.load %arg2[%get3A_12, %get3A_13] : memref<2048x128xf32, #tpu.memory_space<vmem>>, vector<2048x128xf32>
    %add3A_15 = arith.addf %add3A, %get3A_14 : vector<2048x128xf32>
    %mul3A = vector.broadcast %get3A_1 : vector<2048x1xf32> to vector<2048x128xf32>
    %mul3A_16 = arith.mulf %mul3A, %add3A_15 : vector<2048x128xf32>
    %get3A_17 = arith.constant 0 : index
    %get3A_18 = arith.constant 0 : index
    %get3A_19 = vector.load %arg4[%get3A_17, %get3A_18] : memref<1x128xf32, #tpu.memory_space<vmem>>, vector<1x128xf32>
    %add3A_20 = vector.broadcast %get3A_19 : vector<1x128xf32> to vector<2048x128xf32>
    %add3A_21 = arith.addf %mul3A_16, %add3A_20 : vector<2048x128xf32>
    %get3A_22 = arith.constant 0 : index
    %get3A_23 = arith.constant 0 : index
    %get3A_24 = vector.load %arg5[%get3A_22, %get3A_23] : memref<2048x1xi32, #tpu.memory_space<vmem>>, vector<2048x1xi32>
    %squeeze3A = vector.shape_cast %get3A_24 : vector<2048x1xi32> to vector<2048xi32>
    %iota3A = tpu.iota {dimensions = array<i32: 0>} : vector<32x2048xi32>
    %broadcast_in_dim3A = vector.shape_cast %squeeze3A : vector<2048xi32> to vector<1x2048xi32>
    %eq3A = vector.broadcast %broadcast_in_dim3A : vector<1x2048xi32> to vector<32x2048xi32>
    %eq3A_25 = arith.cmpi eq, %eq3A, %iota3A : vector<32x2048xi32>
    %convert_element_type3A = arith.extui %eq3A_25 : vector<32x2048xi1> to vector<32x2048xi32>
    %convert_element_type3A_26 = arith.sitofp %convert_element_type3A : vector<32x2048xi32> to vector<32x2048xf32>
    %convert_element_type3A_27 = arith.truncf %convert_element_type3A_26 : vector<32x2048xf32> to vector<32x2048xbf16>
    %convert_element_type3A_28 = arith.truncf %add3A_21 : vector<2048x128xf32> to vector<2048x128xbf16>
    %convert_element_type3A_29 = arith.extf %convert_element_type3A_28 : vector<2048x128xbf16> to vector<2048x128xf32>
    %sub3A = arith.subf %add3A_21, %convert_element_type3A_29 : vector<2048x128xf32>
    %convert_element_type3A_30 = arith.truncf %sub3A : vector<2048x128xf32> to vector<2048x128xbf16>
    %convert_element_type3A_31 = arith.extf %convert_element_type3A_30 : vector<2048x128xbf16> to vector<2048x128xf32>
    %sub3A_32 = arith.subf %sub3A, %convert_element_type3A_31 : vector<2048x128xf32>
    %convert_element_type3A_33 = arith.truncf %sub3A_32 : vector<2048x128xf32> to vector<2048x128xbf16>
    %dot_general3A = arith.constant dense<0.000000e+00> : vector<32x128xf32>
    %dot_general3A_34 = tpu.matmul %convert_element_type3A_27, %convert_element_type3A_28, %dot_general3A {dimension_numbers = #tpu.dot_dimension_numbers<[1], [0], [0], [1], [0, 0, 1, 1], [], []>, transpose_lhs_hint = false} : vector<32x2048xbf16>, vector<2048x128xbf16>, vector<32x128xf32> -> vector<32x128xf32>
    %dot_general3A_35 = arith.constant dense<0.000000e+00> : vector<32x128xf32>
    %dot_general3A_36 = tpu.matmul %convert_element_type3A_27, %convert_element_type3A_30, %dot_general3A_35 {dimension_numbers = #tpu.dot_dimension_numbers<[1], [0], [0], [1], [0, 0, 1, 1], [], []>, transpose_lhs_hint = false} : vector<32x2048xbf16>, vector<2048x128xbf16>, vector<32x128xf32> -> vector<32x128xf32>
    %add3A_37 = arith.addf %dot_general3A_34, %dot_general3A_36 : vector<32x128xf32>
    %dot_general3A_38 = arith.constant dense<0.000000e+00> : vector<32x128xf32>
    %dot_general3A_39 = tpu.matmul %convert_element_type3A_27, %convert_element_type3A_33, %dot_general3A_38 {dimension_numbers = #tpu.dot_dimension_numbers<[1], [0], [0], [1], [0, 0, 1, 1], [], []>, transpose_lhs_hint = false} : vector<32x2048xbf16>, vector<2048x128xbf16>, vector<32x128xf32> -> vector<32x128xf32>
    %add3A_40 = arith.addf %add3A_37, %dot_general3A_39 : vector<32x128xf32>
    %eq3A_41 = arith.constant 0 : i32
    %eq3A_42 = arith.cmpi eq, %arg0, %eq3A_41 : i32
    %convert_element_type3A_43 = arith.extui %eq3A_42 : i1 to i32
    %cond3A = arith.constant 0 : i32
    %cond3A_44 = arith.cmpi ne, %convert_element_type3A_43, %cond3A : i32
    scf.if %cond3A_44 {
      %swap3A = arith.constant 0 : index
      %swap3A_54 = arith.constant 0 : index
      %swap3A_55 = vector.load %arg11[%swap3A, %swap3A_54] : memref<32x128xf32, #tpu.memory_space<vmem>>, vector<32x128xf32>
      tpu.vector_store %arg11[%swap3A, %swap3A_54], %add3A_40 {strides = array<i32>} : memref<32x128xf32, #tpu.memory_space<vmem>>, vector<32x128xf32>,
    } else {
    }
    %gt3A = arith.constant 0 : i32
    %gt3A_45 = arith.cmpi sgt, %arg0, %gt3A : i32
    %convert_element_type3A_46 = arith.extui %gt3A_45 : i1 to i32
    %cond3A_47 = arith.constant 0 : i32
    %cond3A_48 = arith.cmpi ne, %convert_element_type3A_46, %cond3A_47 : i32
    scf.if %cond3A_48 {
      %get3A_54 = arith.constant 0 : index
      %get3A_55 = arith.constant 0 : index
      %get3A_56 = vector.load %arg11[%get3A_54, %get3A_55] : memref<32x128xf32, #tpu.memory_space<vmem>>, vector<32x128xf32>
      %add3A_57 = arith.addf %get3A_56, %add3A_40 : vector<32x128xf32>
      %swap3A = arith.constant 0 : index
      %swap3A_58 = arith.constant 0 : index
      %swap3A_59 = vector.load %arg11[%swap3A, %swap3A_58] : memref<32x128xf32, #tpu.memory_space<vmem>>, vector<32x128xf32>
      tpu.vector_store %arg11[%swap3A, %swap3A_58], %add3A_57 {strides = array<i32>} : memref<32x128xf32, #tpu.memory_space<vmem>>, vector<32x128xf32>,
    } else {
    }
    %eq3A_49 = arith.constant 4 : i32
    %eq3A_50 = arith.cmpi eq, %arg0, %eq3A_49 : i32
    %convert_element_type3A_51 = arith.extui %eq3A_50 : i1 to i32
    %cond3A_52 = arith.constant 0 : i32
    %cond3A_53 = arith.cmpi ne, %convert_element_type3A_51, %cond3A_52 : i32
    scf.if %cond3A_53 {
      %get3A_54 = arith.constant 0 : index
      %get3A_55 = arith.constant 0 : index
      %get3A_56 = vector.load %arg11[%get3A_54, %get3A_55] : memref<32x128xf32, #tpu.memory_space<vmem>>, vector<32x128xf32>
      %convert_element_type3A_57 = arith.truncf %get3A_56 : vector<32x128xf32> to vector<32x128xbf16>
      %get3A_58 = arith.constant 0 : index
      %get3A_59 = arith.constant 0 : index
      %get3A_60 = vector.load %arg6[%get3A_58, %get3A_59] : memref<128x128xf32, #tpu.memory_space<vmem>>, vector<128x128xf32>
      %convert_element_type3A_61 = arith.truncf %get3A_60 : vector<128x128xf32> to vector<128x128xbf16>
      %dot_general3A_62 = arith.constant dense<0.000000e+00> : vector<32x128xf32>
      %dot_general3A_63 = tpu.matmul %convert_element_type3A_57, %convert_element_type3A_61, %dot_general3A_62 {dimension_numbers = #tpu.dot_dimension_numbers<[1], [0], [0], [1], [0, 0, 1, 1], [], []>, transpose_lhs_hint = false} : vector<32x128xbf16>, vector<128x128xbf16>, vector<32x128xf32> -> vector<32x128xf32>
      %get3A_64 = arith.constant 0 : index
      %get3A_65 = arith.constant 0 : index
      %get3A_66 = vector.load %arg7[%get3A_64, %get3A_65] : memref<1x128xf32, #tpu.memory_space<vmem>>, vector<1x128xf32>
      %add3A_67 = vector.broadcast %get3A_66 : vector<1x128xf32> to vector<32x128xf32>
      %add3A_68 = arith.addf %dot_general3A_63, %add3A_67 : vector<32x128xf32>
      %tanh3A = math.tanh %add3A_68 : vector<32x128xf32>
      %convert_element_type3A_69 = arith.truncf %tanh3A : vector<32x128xf32> to vector<32x128xbf16>
      %get3A_70 = arith.constant 0 : index
      %get3A_71 = arith.constant 0 : index
      %get3A_72 = vector.load %arg8[%get3A_70, %get3A_71] : memref<128x1xf32, #tpu.memory_space<vmem>>, vector<128x1xf32>
      %convert_element_type3A_73 = arith.truncf %get3A_72 : vector<128x1xf32> to vector<128x1xbf16>
      %dot_general3A_74 = arith.constant dense<0.000000e+00> : vector<32x1xf32>
      %dot_general3A_75 = tpu.matmul %convert_element_type3A_69, %convert_element_type3A_73, %dot_general3A_74 {dimension_numbers = #tpu.dot_dimension_numbers<[1], [0], [0], [1], [0, 0, 1, 1], [], []>, transpose_lhs_hint = false} : vector<32x128xbf16>, vector<128x1xbf16>, vector<32x1xf32> -> vector<32x1xf32>
      %get3A_76 = arith.constant 0 : index
      %get3A_77 = arith.constant 0 : index
      %get3A_78 = vector.load %arg9[%get3A_76, %get3A_77] : memref<1x1xf32, #tpu.memory_space<vmem>>, vector<1x1xf32>
      %add3A_79 = vector.broadcast %get3A_78 : vector<1x1xf32> to vector<32x1xf32>
      %add3A_80 = arith.addf %dot_general3A_75, %add3A_79 : vector<32x1xf32>
      %swap3A = arith.constant 0 : index
      %swap3A_81 = arith.constant 0 : index
      %swap3A_82 = vector.load %arg10[%swap3A, %swap3A_81] : memref<32x1xf32, #tpu.memory_space<vmem>>, vector<32x1xf32>
      tpu.vector_store %arg10[%swap3A, %swap3A_81], %add3A_80 {strides = array<i32>} : memref<32x1xf32, #tpu.memory_space<vmem>>, vector<32x1xf32>,
    } else {
    }
    return
  }
  func.func @transform_0(%arg0: i32) -> (i32, i32, i32) {
    %c0_i32 = arith.constant 0 : i32
    %c0_i32_0 = arith.constant 0 : i32
    %c0_i32_1 = arith.constant 0 : i32
    return %c0_i32, %arg0, %c0_i32_0 : i32, i32, i32
  }
  func.func @transform_1(%arg0: i32) -> (i32, i32) {
    %c0_i32 = arith.constant 0 : i32
    %c0_i32_0 = arith.constant 0 : i32
    return %arg0, %c0_i32 : i32, i32
  }
  func.func @transform_2(%arg0: i32) -> (i32, i32) {
    %c0_i32 = arith.constant 0 : i32
    %c0_i32_0 = arith.constant 0 : i32
    return %arg0, %c0_i32 : i32, i32
  }
  func.func @transform_3(%arg0: i32) -> (i32, i32) {
    %c0_i32 = arith.constant 0 : i32
    %c0_i32_0 = arith.constant 0 : i32
    %c0_i32_1 = arith.constant 0 : i32
    return %c0_i32, %c0_i32_0 : i32, i32
  }
  func.func @transform_4(%arg0: i32) -> (i32, i32) {
    %c0_i32 = arith.constant 0 : i32
    %c0_i32_0 = arith.constant 0 : i32
    return %arg0, %c0_i32 : i32, i32
  }
  func.func @transform_5(%arg0: i32) -> (i32, i32) {
    %c0_i32 = arith.constant 0 : i32
    %c0_i32_0 = arith.constant 0 : i32
    %c0_i32_1 = arith.constant 0 : i32
    return %c0_i32, %c0_i32_0 : i32, i32
  }
  func.func @transform_6(%arg0: i32) -> (i32, i32) {
    %c0_i32 = arith.constant 0 : i32
    %c0_i32_0 = arith.constant 0 : i32
    %c0_i32_1 = arith.constant 0 : i32
    return %c0_i32, %c0_i32_0 : i32, i32
  }
  func.func @transform_7(%arg0: i32) -> (i32, i32) {
    %c0_i32 = arith.constant 0 : i32
    %c0_i32_0 = arith.constant 0 : i32
    %c0_i32_1 = arith.constant 0 : i32
    return %c0_i32, %c0_i32_0 : i32, i32
  }
  func.func @transform_8(%arg0: i32) -> (i32, i32) {
    %c0_i32 = arith.constant 0 : i32
    %c0_i32_0 = arith.constant 0 : i32
    %c0_i32_1 = arith.constant 0 : i32
    return %c0_i32, %c0_i32_0 : i32, i32
  }
  func.func @transform_9(%arg0: i32) -> (i32, i32) {
    %c0_i32 = arith.constant 0 : i32
    %c0_i32_0 = arith.constant 0 : i32
    %c0_i32_1 = arith.constant 0 : i32
    return %c0_i32, %c0_i32_0 : i32, i32
  }
}

</mosaic_0001>

<sc_bundles>
// kernel: kernel.10.cloned.1.call-start
scs
__scs_entry_jumppad:
0x0: {  	(pc) =	sbr.rel $0x88, $3  }
0x1: {  	(tag) =	ssettag $0x0;
	lr =	simm.s32 $0x1  }
0x2: {  	[smem:$0x3F92] =	sst lr;
	_ =	strace $0xD0000000  }
0x3: {  	_ = 	snop  }
0x4: {  	_ = 	snop  }
0x5: {  	_ = 	snop  }
0x6: {  	_ = 	snop  }
0x7: {  	_ = 	snop  }
__scs_overlays_trampoline_lowered:
0x8: {  	[smem:$0x3FA1] =	sst s0  }
0x9: {  	[smem:$0x3FA2] =	sst s1  }
0xa: {  	[smem:$0x3FA3] =	sst s2  }
0xb: {  	[smem:$0x3FA4] =	sst s3  }
0xc: {  	[smem:$0x3FA5] =	sst s4  }
0xd: {  	[smem:$0x3FA6] =	sst s5  }
0xe: {  	[smem:$0x3FA7] =	sst s6  }
0xf: {  	[smem:$0x3FA8] =	sst s7  }
0x10: {  	[smem:$0x3FA9] =	sst s8  }
0x11: {  	[smem:$0x3FAA] =	sst s9;
	s0 =	simm.s32 @!p0 $0x0  }
0x12: {  	s1 =	sld [smem:$0x3F90];
	s0 =	simm.s32 @p0 $0x1  }
0x13: {  	[smem:$0x3FAB] =	sst s0;
	s0 =	simm.s32 @!p1 $0x0  }
0x14: {  	s2 =	sld [smem:$0x3F8F];
	s0 =	simm.s32 @p1 $0x1  }
0x15: {  	[smem:$0x3FAC] =	sst s0;
	s0 =	simm.s32 @!p2 $0x0  }
0x16: {  	s3 =	sld [smem:$0x3FDB];
	s0 =	simm.s32 @p2 $0x1  }
0x17: {  	s4 =	simm.s32 $0x1BF5;
	[smem:$0x3FAE] =	sst s0  }
0x18: {  	s0 =	sld [smem:$0x3F91];
	_ =	swait.ge [sflag:s4], $0x0  }
0x19: {  	s7 =	sld [smem:$0x3F92]  }
0x1a: {  	s8 =	sadd.s32 $0xFFFFE003, lr  }
0x1b: {  	s9 =	sadd.s32 $0xFFFFFEF7, lr;
	s5 =	simm.s32 $0xFFFFFFFF;
	p2 =	slt.u32 s8, $0xFFFFF086  }
0x1c: {  	p1 =	slt.u32 s9, $0xF7A;
	s5 =	simm.s32 @!p2 $0x0  }
0x1d: {  	s5 =	simm.s32 @p1 $0x1;
	p0 =	seq.s32 s7, s2  }
0x1e: {  	s7 =	smul.u32 @!p0 $0xF7A, s2;
	p2 =	seq.s32 @!p0 s5, $0x0  }
0x1f: {  	s9 =	smul.u32 $0xF7A, s1;
	s8 =	simm.s32 @!p0 $0x1BF5;
	p2 =	por !p2, p0  }
0x20: {  	[sflag:s8] =	ssyncset.s32 @!p0 $0xFFFFF086;
	s6 =	sadd.s32 @!p0 s3, s7;
	s7 =	simm.s32 @!p0 $0x108  }
0x21: {  	s3 =	sadd.s32 s3, s9;
	s6 =	sadd.s32 @!p0 $0x88, s6;
	s7 =	simm.s32 @p2 $0x1082  }
0x22: {  	[simem:s7], [sflag:s8] =	dma.local @!p0 [hbm:s6], $0xF7A  }
0x23: {  	s9 =	sor.u32 $0xD0000000, s2;
	s6 =	simm.s32 $0x108;
	_ =	swait.ge @!p0 [sflag:s8], $0x0  }
0x24: {  	s3 =	sadd.s32 $0x88, s3;
	s6 =	simm.s32 @!p1 $0x1082;
	[sflag:s4] =	ssyncset.s32 $0xFFFFF086  }
0x25: {  	[simem:s6], [sflag:s4] =	dma.local [hbm:s3], $0xF7A  }
0x26: {  	[smem:$0x3F92] =	sst s1;
	(tag) =	ssettag s2;
	_ =	strace s9  }
0x27: {  	s1 =	sld [smem:$0x3FA2]  }
0x28: {  	s2 =	sld [smem:$0x3FA3]  }
0x29: {  	s4 =	sld [smem:$0x3FA5]  }
0x2a: {  	p0 =	seq.s32 s5, $0x0;
	s5 =	sld [smem:$0x3FA6]  }
0x2b: {  	s6 =	sld [smem:$0x3FA7]  }
0x2c: {  	s7 =	sld [smem:$0x3FA8]  }
0x2d: {  	s3 =	simm.s32 $0x108;
	s8 =	sld [smem:$0x3FA9]  }
0x2e: {  	s3 =	simm.s32 @!p0 $0x1082;
	s9 =	sld [smem:$0x3FAA]  }
0x2f: {  	lr =	sadd.s32 s0, s3;
	s0 =	sld [smem:$0x3FA1]  }
0x30: {  	s3 =	sld [smem:$0x3FA4]  }
0x31: {  	[smem:$0x3FAD] =	sst s10  }
0x32: {  	s10 =	sld [smem:$0x3FAB];
	_ =	sdelay $0x3  }
0x33: {  	p0 =	seq.s32 s10, $0x1;
	s10 =	sld [smem:$0x3FAD];
	_ =	sdelay $0x3  }
0x34: {  	[smem:$0x3FAD] =	sst s10  }
0x35: {  	s10 =	sld [smem:$0x3FAC];
	_ =	sdelay $0x3  }
0x36: {  	p1 =	seq.s32 s10, $0x1;
	s10 =	sld [smem:$0x3FAD];
	_ =	sdelay $0x3  }
0x37: {  	[smem:$0x3FAD] =	sst s10  }
0x38: {  	s10 =	sld [smem:$0x3FAE]  }
0x39: {  	_ = 	snop;
	(pc) =	sbr.ind lr, $3  }
0x3a: {  	_ = 	snop  }
0x3b: {  	_ = 	snop  }
0x3c: {  	p2 =	seq.s32 s10, $0x1;
	s10 =	sld [smem:$0x3FAD]  }
0x3d: {  	_ =	shalt  }
0x3e: {  	_ =	shalt  }
0x3f: {  	_ =	shalt  }
0x40: {  	_ =	shalt  }
0x41: {  	_ =	shalt  }
0x42: {  	_ =	shalt  }
0x43: {  	_ =	shalt  }
0x44: {  	_ =	shalt  }
0x45: {  	_ =	shalt  }
0x46: {  	_ =	shalt  }
0x47: {  	_ =	shalt  }
0x48: {  	_ =	shalt  }
0x49: {  	_ =	shalt  }
0x4a: {  	_ =	shalt  }
0x4b: {  	_ =	shalt  }
0x4c: {  	_ =	shalt  }
0x4d: {  	_ =	shalt  }
0x4e: {  	_ =	shalt  }
0x4f: {  	_ =	shalt  }
0x50: {  	_ =	shalt  }
0x51: {  	_ =	shalt  }
0x52: {  	_ =	shalt  }
0x53: {  	_ =	shalt  }
0x54: {  	_ =	shalt  }
0x55: {  	_ =	shalt  }
0x56: {  	_ =	shalt  }
0x57: {  	_ =	shalt  }
0x58: {  	_ =	shalt  }
0x59: {  	_ =	shalt  }
0x5a: {  	_ =	shalt  }
0x5b: {  	_ =	shalt  }
0x5c: {  	_ =	shalt  }
0x5d: {  	_ =	shalt  }
0x5e: {  	_ =	shalt  }
0x5f: {  	_ =	shalt  }
0x60: {  	_ =	shalt  }
0x61: {  	_ =	shalt  }
0x62: {  	_ =	shalt  }
0x63: {  	_ =	shalt  }
0x64: {  	_ =	shalt  }
0x65: {  	_ =	shalt  }
0x66: {  	_ =	shalt  }
0x67: {  	_ =	shalt  }
0x68: {  	_ =	shalt  }
0x69: {  	_ =	shalt  }
0x6a: {  	_ =	shalt  }
0x6b: {  	_ =	shalt  }
0x6c: {  	_ =	shalt  }
0x6d: {  	_ =	shalt  }
0x6e: {  	_ =	shalt  }
0x6f: {  	_ =	shalt  }
0x70: {  	_ =	shalt  }
0x71: {  	_ =	shalt  }
0x72: {  	_ =	shalt  }
0x73: {  	_ =	shalt  }
0x74: {  	_ =	shalt  }
0x75: {  	_ =	shalt  }
0x76: {  	_ =	shalt  }
0x77: {  	_ =	shalt  }
0x78: {  	_ =	shalt  }
0x79: {  	_ =	shalt  }
0x7a: {  	_ =	shalt  }
0x7b: {  	_ =	shalt  }
0x7c: {  	_ =	shalt  }
0x7d: {  	_ =	shalt  }
0x7e: {  	_ =	shalt  }
0x7f: {  	_ =	shalt  }
0x80: {  	_ =	shalt  }
0x81: {  	_ =	shalt  }
0x82: {  	_ =	shalt  }
0x83: {  	_ =	shalt  }
0x84: {  	_ =	shalt  }
0x85: {  	_ =	shalt  }
0x86: {  	_ =	shalt  }
0x87: {  	_ =	shalt  }
.Lfunc_end0:
.L_simem_size_0:
called_computation_lowered:
.L_overlay_start_0:
0x88: {  	s2 =	sld [smem:$0x3FD9]  }
0x89: {  	s3 =	sld [smem:$0x3FFE];
	_ =	sdelay $0x1  }
0x8a: {  	s1 =	srdreg.scid  }
0x8b: {  	s0 =	sand.u32 $0x1, s1  }
0x8c: {  	s16 =	sshll.u32 s0, $0xA;
	s2 =	sadd.s32 s3, s2  }
0x8d: {  	s2 =	sadd.s32 s2, s16  }
0x8e: {  	[smem:$0x3FB9] =	sst s2  }
0x8f: {  	_ = 	snop  }
0x90: {  	(tm) =	ssettm $0x1  }
0x91: {  	s17 =	sld [smem:$0x3FFB];
	_ =	sdelay $0x3  }
0x92: {  	_ =	strace s17  }
0x93: {  	s2 =	sld [smem:$0x3FFC];
	_ =	sdelay $0x3  }
0x94: {  	_ =	strace s2  }
0x95: {  	s2 =	sld [smem:$0x3FFD];
	_ =	sdelay $0x3  }
0x96: {  	_ =	strace s2  }
0x97: {  	_ =	strace $0x8FFFFFFF  }
0x98: {  	s18 =	sld [smem:$0x3FDB];
	_ =	sdelay $0x1  }
0x99: {  	s19 =	simm.s32 $_scs_section_size  }
0x9a: {  	s4 =	simm.s32 $_size__tile_overlayer_lowered;
	s5 =	simm.s32 $_tile_overlayer_lowered  }
0x9b: {  	s22 =	simm.s32 $0x1BFF;
	s21 =	sshll.u32 s5, $0x1;
	s2 =	sadd.s32 s19, s18  }
0x9c: {  	s6 =	simm.s32 $0x0;
	s20 =	sshll.u32 s4, $0x1;
	s4 =	sadd.s32 s21, s2  }
0x9d: {  	[timem:s6], [sflag:s22] =	dma.local [hbm:s4], s20  }
0x9e: {  	_ =	swait.ge [sflag:s22], s20  }
0x9f: {  	s3 =	ssub.s32 $0x0, s20;
	[sflag:s22] =	ssyncset.done $0x0  }
0xa0: {  	[sflag:s22] =	ssyncadd.s32 s3;
	_ =	sdelay $0x1  }
0xa1: {  	s23 =	simm.s32 $0x1B8B  }
0xa2: {  	_ =	swait.ge [sflag:s23], $0x1  }
0xa3: {  	[sflag:s23] =	ssyncset.done $0x0  }
0xa4: {  	s25 =	simm.s32 $0x1B8E;
	s24 =	sld [smem:$0x3FFE];
	[sflag:s23] =	ssyncadd.s32 $0xFFFFFFFF  }
0xa5: {  	s26 =	simm.s32 $execute0_lowered;
	[smem:$0x3FD2] =	sst s25  }
0xa6: {  	s4 =	sshll.u32 s26, $0x1;
	_ =	strace $0x80000046;
	[dreg:$0x1] =	wrdreg $0xFFFFFFFF  }
0xa7: {  	s28 =	simm.s32 $_size_execute0_lowered;
	s2 =	sadd.s32 s2, s4;
	[dreg:$0x0] =	wrdreg $0x0  }
0xa8: {  	s4 =	sshll.u32 s28, $0x1;
	[dreg:$0x2] =	wrdreg s2  }
0xa9: {  	[dreg:$0x3] =	wrdreg s4  }
0xaa: {  	[dreg:$0x4] =	wrdreg $0xC0  }
0xab: {  	_ =	task [dreg:s6], $0x5FFFF  }
0xac: {  	[dreg:$0x1] =	wrdreg $0xFFFFFFFF  }
0xad: {  	[dreg:$0x0] =	wrdreg $0x60  }
0xae: {  	[dreg:$0x2] =	wrdreg s24  }
0xaf: {  	[dreg:$0x3] =	wrdreg $0x90000  }
0xb0: {  	[dreg:$0x4] =	wrdreg $0x9  }
0xb1: {  	_ =	task.clear_ibuf [dreg:s6], $0x5FFFF;
	_ =	strace $0x90000046  }
0xb2: {  	s29 =	simm.s32 $0x9;
	_ =	strace $0x80000048  }
0xb3: {  	_ =	swait.ge [sflag:s29], $0x1  }
0xb4: {  	[sflag:s29] =	ssyncadd.s32 $0xFFFFFFFF  }
0xb5: {  	_ =	strace $0x90000048  }
0xb6: {  	_ =	sfence  }
0xb7: {  	s30 =	sld [smem:$0x0];
	_ =	sdelay $0x2  }
0xb8: {  	s31 =	sshll.u32 s1, $0xD;
	s1 =	sshrl.u32 s1, $0x2  }
0xb9: {  	s3 =	sand.u32 $0x4000, s31;
	s1 =	sadd.s32 s1, s30  }
0xba: {  	s0 =	sor.u32 s3, s0;
	s1 =	sshll.u32 s1, $0x11  }
0xbb: {  	s0 =	sor.u32 s1, s0  }
0xbc: {  	s0 =	sadd.s32 $0x8F2B, s0  }
0xbd: {  	[sflag:s0] =	ssyncadd.remote.s32 $0x1  }
0xbe: {  	_ =	sfence.sel $0xFFFF  }
0xbf: {  	[dreg:$0x0] =	wrdreg $0xFFFFFFFF;
	(pc) =	sbr.abs _section_cstart, $3  }
0xc0: {  	[dreg:$0x1] =	wrdreg $0xFFFFFFFF  }
0xc1: {  	_ =	task.clear_ibuf [dreg:s6], $0x2FFFF;
	_ =	strace $0x9FFFFFFF  }
0xc2: {  	(tm) =	ssettm $0x7FFFFFFF  }
0xc3: {  	_ =	shalt  }
tec
execute0_lowered:
.L_overlay_start_1:
0x0: {  	(tag) =	ssettag $0x1  }
0x1: {  	s0 =	srdreg.scid  }
0x2: {  	s6 =	rddreg [dreg:$0x0];
	s5 =	sand.u32 $0x1, s0;
	s0 =	stileid.u32  }
0x3: {  	s2 =	rddreg [dreg:$0x1];
	s3 =	simm.s32 $0x0;
	s14 =	smul.u32 $0x2800, s0  }
0x4: {  	s13 =	simm.s32 $0x1;
	[smem:$0x7FF] =	sst s3;
	s8 =	smul.u32 $0x28000, s5  }
0x5: {  	s4 =	sadd.s32 $0x3F800, s6;
	s1 =	sshll.u32 s5, $0x4;
	s9 =	smul.u32 $0x50000, s0  }
0x6: {  	s5 =	ssub.s32 $0x2, s5;
	s31 =	sshll.u32 s0, $0x6;
	s1 =	sor.u32 s0, s1  }
0x7: {  	s30 =	sshrl.u32 s5, $0x1;
	s7 =	smul.u32 $0xA00, s1;
	s1 =	rddreg [dreg:$0x2]  }
0x8: {  	_ =	strace $0x80000047;
	s10 =	sadd.s32 s14, s6;
	s9 =	sshrl.u32 s9, $0x2  }
0x9: {  	s8 =	sadd.s32 s8, s6;
	s11 =	ssub.s32 s5, s30;
	s12 =	sadd.s32 s9, s2  }
0xa: {  	s15 =	sadd.s32 $0x67800, s8;
	s8 =	simm.s32 $0x2;
	s9 =	sor.u32 $0x1C02, s31  }
0xb: {  	s7 =	sadd.s32 s7, s6;
	s6 =	sadd.s32 $0x17800, s10;
	s10 =	sshrl.u32 s12, $0x3  }
0xc: {  	s12 =	simm.s32 $0x5000;
	s14 =	sadd.s32 s14, s15;
	s15 =	simm.s32 $0x0  }
0xd: {  	s5 =	sadd.s32 $0x3800, s7;
	s7 =	smax.u32 s11, $0x1;
	s11 =	simm.s32 $0x7D  }
.LBB2_1:
0xe: {  	[tilespmem:s3], [sflag:$0x2] =	stream.linear.gather [hbm4b:s5+s3], $0x5000, $0x38;
	[tilespmem:$0x1D000] =	vst v63  }
0xf: {  	_ =	swait.ge [sflag:s8], $0x5000  }
0x10: {  	[sflag:s8] =	ssyncset.done $0x0  }
0x11: {  	[sflag:s8] =	ssyncadd.s32 $0xFFFFB000  }
0x12: {  	[spmem:s10], [sflag:s9] =	dma.local [hbm:s6], $0x2800  }
0x13: {  	_ =	swait.ge [sflag:s8], $0x2800  }
0x14: {  	[sflag:s8] =	ssyncset.done $0x0  }
0x15: {  	[sflag:s8] =	ssyncadd.s32 $0xFFFFD800  }
0x16: {  	s16 =	simm.s32 $0x0;
	[bflag:$0x0] =	sbarrier.arrive $0xFFFF  }
0x17: {  	[tilespmem:s12], [sflag:$0x1] =	stream.indirect.gather [hbm4b:s4+s11], $0x80, s16, s11, $0xb8;
	[tilespmem:$0x1D000] =	vst v63  }
0x18: {  	_ =	swait.ge [sflag:s13], $0x3E80  }
0x19: {  	[sflag:s13] =	ssyncset.done $0x0  }
0x1a: {  	s31 =	simm.s32 $0x2800;
	[sflag:s13] =	ssyncadd.s32 $0xFFFFC180  }
0x1b: {  	[spmem:s2] =	stream.indirect.scatter.add.f32 [tilespmem:s12], [sflag:$0x2], $0x80, s31, s11, $0xb8;
	[tilespmem:$0x1D000] =	vst v63  }
0x1c: {  	_ =	swait.ge [sflag:s8], $0x3E80  }
0x1d: {  	s17 =	simm.s32 $0x400;
	s16 =	simm.s32 $0x200;
	[sflag:s8] =	ssyncset.done $0x0  }
.LBB2_2:
0x1e: {  	s18 =	sshra.s32 s16, $0x2  }
0x1f: {  	[sflag:s8] =	ssyncadd.s32 $0xFFFFC180;
	s16 =	smov.u32 s17;
	s19 =	sadd.s32 $0x200, s17  }
0x20: {  	[tilespmem:s12], [sflag:$0x1] =	stream.indirect.gather [hbm4b:s4+s11], $0x80, s18, s11, $0xb8;
	[tilespmem:$0x1D000] =	vst v63  }
0x21: {  	p0 =	sne.s32 s17, $0x9E00;
	_ =	swait.ge [sflag:s13], $0x3E80  }
.Ltmp0:
0x22: {  	[sflag:s13] =	ssyncset.done $0x0;
	(pc) =	sbr.rel @p0 .LBB2_2-.Ltmp0, $4  }
0x23: {  	s17 =	sadd.s32 $0x2800, s18;
	[sflag:s13] =	ssyncadd.s32 $0xFFFFC180  }
0x24: {  	[spmem:s2] =	stream.indirect.scatter.add.f32 [tilespmem:s12], [sflag:$0x2], $0x80, s17, s11, $0xb8;
	[tilespmem:$0x1D000] =	vst v63  }
0x25: {  	_ =	swait.ge [sflag:s8], $0x3E80  }
0x26: {  	s17 =	smov.u32 s19;
	[sflag:s8] =	ssyncset.done $0x0  }
0x27: {  	s16 =	sshra.s32 s16, $0x2;
	[sflag:s8] =	ssyncadd.s32 $0xFFFFC180  }
0x28: {  	[tilespmem:s12], [sflag:$0x1] =	stream.indirect.gather [hbm4b:s4+s11], $0x80, s16, s11, $0xb8;
	[tilespmem:$0x1D000] =	vst v63  }
0x29: {  	_ =	swait.ge [sflag:s13], $0x3E80  }
0x2a: {  	[sflag:s13] =	ssyncset.done $0x0  }
0x2b: {  	s16 =	sadd.s32 $0x2800, s16;
	[sflag:s13] =	ssyncadd.s32 $0xFFFFC180  }
0x2c: {  	[spmem:s2] =	stream.indirect.scatter.add.f32 [tilespmem:s12], [sflag:$0x2], $0x80, s16, s11, $0xb8;
	[tilespmem:$0x1D000] =	vst v63  }
0x2d: {  	_ =	swait.ge [sflag:s8], $0x3E80  }
0x2e: {  	s15 =	sadd.s32 $0x1, s15;
	[sflag:s8] =	ssyncset.done $0x0  }
0x2f: {  	p0 =	sne.s32 s15, s7;
	[sflag:s8] =	ssyncadd.s32 $0xFFFFC180  }
.Ltmp1:
0x30: {  	[bflag:$0x0] =	sbarrier.arrive $0xFFFF;
	(pc) =	sbr.rel @p0 .LBB2_1-.Ltmp1, $4  }
0x31: {  	[hbm:s14], [sflag:s9] =	dma.local [spmem:s10], $0x2800  }
0x32: {  	_ =	swait.ge [sflag:s8], $0x2800  }
0x33: {  	[sflag:s8] =	ssyncset.done $0x0  }
0x34: {  	[sflag:s8] =	ssyncadd.s32 $0xFFFFD800  }
0x35: {  	_ =	sfence.sel $0x180000  }
0x36: {  	[bflag:$0x0] =	sbarrier.arrive $0xFFFF  }
0x37: {  	p0 =	sne.s32 s0, $0x0;
	_ =	strace $0x90000047  }
0x38: {  	s0 =	sadd.s32 @!p0 $0x100000, s1;
	[bflag:$0x2] =	sbarrier.arrive $0xFFFF  }
0x39: {  	[sflag:s0] =	ssyncadd.tile.s32 @!p0 $0x1;
	_ =	shalt  }
.Lfunc_end2:
_tile_overlayer_lowered:
.L_overlay_start_2:
0x3a: {  	(tag) =	ssettag $0x2  }
0x3b: {  	s0 =	rddreg [dreg:$0x0];
	s2 =	stileid.u32  }
0x3c: {  	s1 =	rddreg [dreg:$0x1];
	p0 =	sne.s32 s2, $0x0  }
0x3d: {  	s3 =	rddreg [dreg:$0x2];
	[bflag:$0x3] =	sbarrier.arrive $0xFFFF;
	s2 =	simm.s32 @!p0 $0x1C02  }
0x3e: {  	[timem:s3], [sflag:s2] =	dma.local @!p0 [hbm:s0], s1  }
0x3f: {  	s0 =	simm.s32 @!p0 $0x2  }
0x40: {  	_ =	swait.ge @!p0 [sflag:s0], s1  }
0x41: {  	s1 =	ssub.s32 @!p0 $0x0, s1;
	[sflag:s0] =	ssyncset.done @!p0 $0x0  }
0x42: {  	[sflag:s0] =	ssyncadd.s32 @!p0 s1  }
0x43: {  	[bflag:$0x3] =	sbarrier.arrive $0xFFFF  }
0x44: {  	_ =	shalt  }

// kernel: kernel.13.cloned.1.call-start
scs
__scs_entry_jumppad:
0x0: {  	(pc) =	sbr.rel $0x88, $3  }
0x1: {  	(tag) =	ssettag $0x0;
	lr =	simm.s32 $0x1  }
0x2: {  	[smem:$0x3F92] =	sst lr;
	_ =	strace $0xD0000000  }
0x3: {  	_ = 	snop  }
0x4: {  	_ = 	snop  }
0x5: {  	_ = 	snop  }
0x6: {  	_ = 	snop  }
0x7: {  	_ = 	snop  }
__scs_overlays_trampoline_lowered:
0x8: {  	[smem:$0x3FA1] =	sst s0  }
0x9: {  	[smem:$0x3FA2] =	sst s1  }
0xa: {  	[smem:$0x3FA3] =	sst s2  }
0xb: {  	[smem:$0x3FA4] =	sst s3  }
0xc: {  	[smem:$0x3FA5] =	sst s4  }
0xd: {  	[smem:$0x3FA6] =	sst s5  }
0xe: {  	[smem:$0x3FA7] =	sst s6  }
0xf: {  	[smem:$0x3FA8] =	sst s7  }
0x10: {  	[smem:$0x3FA9] =	sst s8  }
0x11: {  	[smem:$0x3FAA] =	sst s9;
	s0 =	simm.s32 @!p0 $0x0  }
0x12: {  	s1 =	sld [smem:$0x3F90];
	s0 =	simm.s32 @p0 $0x1  }
0x13: {  	[smem:$0x3FAB] =	sst s0;
	s0 =	simm.s32 @!p1 $0x0  }
0x14: {  	s2 =	sld [smem:$0x3F8F];
	s0 =	simm.s32 @p1 $0x1  }
0x15: {  	[smem:$0x3FAC] =	sst s0;
	s0 =	simm.s32 @!p2 $0x0  }
0x16: {  	s3 =	sld [smem:$0x3FDB];
	s0 =	simm.s32 @p2 $0x1  }
0x17: {  	s4 =	simm.s32 $0x1BF5;
	[smem:$0x3FAE] =	sst s0  }
0x18: {  	s0 =	sld [smem:$0x3F91];
	_ =	swait.ge [sflag:s4], $0x0  }
0x19: {  	s7 =	sld [smem:$0x3F92]  }
0x1a: {  	s8 =	sadd.s32 $0xFFFFE003, lr  }
0x1b: {  	s9 =	sadd.s32 $0xFFFFFEF7, lr;
	s5 =	simm.s32 $0xFFFFFFFF;
	p2 =	slt.u32 s8, $0xFFFFF086  }
0x1c: {  	p1 =	slt.u32 s9, $0xF7A;
	s5 =	simm.s32 @!p2 $0x0  }
0x1d: {  	s5 =	simm.s32 @p1 $0x1;
	p0 =	seq.s32 s7, s2  }
0x1e: {  	s7 =	smul.u32 @!p0 $0xF7A, s2;
	p2 =	seq.s32 @!p0 s5, $0x0  }
0x1f: {  	s9 =	smul.u32 $0xF7A, s1;
	s8 =	simm.s32 @!p0 $0x1BF5;
	p2 =	por !p2, p0  }
0x20: {  	[sflag:s8] =	ssyncset.s32 @!p0 $0xFFFFF086;
	s6 =	sadd.s32 @!p0 s3, s7;
	s7 =	simm.s32 @!p0 $0x108  }
0x21: {  	s3 =	sadd.s32 s3, s9;
	s6 =	sadd.s32 @!p0 $0x88, s6;
	s7 =	simm.s32 @p2 $0x1082  }
0x22: {  	[simem:s7], [sflag:s8] =	dma.local @!p0 [hbm:s6], $0xF7A  }
0x23: {  	s9 =	sor.u32 $0xD0000000, s2;
	s6 =	simm.s32 $0x108;
	_ =	swait.ge @!p0 [sflag:s8], $0x0  }
0x24: {  	s3 =	sadd.s32 $0x88, s3;
	s6 =	simm.s32 @!p1 $0x1082;
	[sflag:s4] =	ssyncset.s32 $0xFFFFF086  }
0x25: {  	[simem:s6], [sflag:s4] =	dma.local [hbm:s3], $0xF7A  }
0x26: {  	[smem:$0x3F92] =	sst s1;
	(tag) =	ssettag s2;
	_ =	strace s9  }
0x27: {  	s1 =	sld [smem:$0x3FA2]  }
0x28: {  	s2 =	sld [smem:$0x3FA3]  }
0x29: {  	s4 =	sld [smem:$0x3FA5]  }
0x2a: {  	p0 =	seq.s32 s5, $0x0;
	s5 =	sld [smem:$0x3FA6]  }
0x2b: {  	s6 =	sld [smem:$0x3FA7]  }
0x2c: {  	s7 =	sld [smem:$0x3FA8]  }
0x2d: {  	s3 =	simm.s32 $0x108;
	s8 =	sld [smem:$0x3FA9]  }
0x2e: {  	s3 =	simm.s32 @!p0 $0x1082;
	s9 =	sld [smem:$0x3FAA]  }
0x2f: {  	lr =	sadd.s32 s0, s3;
	s0 =	sld [smem:$0x3FA1]  }
0x30: {  	s3 =	sld [smem:$0x3FA4]  }
0x31: {  	[smem:$0x3FAD] =	sst s10  }
0x32: {  	s10 =	sld [smem:$0x3FAB];
	_ =	sdelay $0x3  }
0x33: {  	p0 =	seq.s32 s10, $0x1;
	s10 =	sld [smem:$0x3FAD];
	_ =	sdelay $0x3  }
0x34: {  	[smem:$0x3FAD] =	sst s10  }
0x35: {  	s10 =	sld [smem:$0x3FAC];
	_ =	sdelay $0x3  }
0x36: {  	p1 =	seq.s32 s10, $0x1;
	s10 =	sld [smem:$0x3FAD];
	_ =	sdelay $0x3  }
0x37: {  	[smem:$0x3FAD] =	sst s10  }
0x38: {  	s10 =	sld [smem:$0x3FAE]  }
0x39: {  	_ = 	snop;
	(pc) =	sbr.ind lr, $3  }
0x3a: {  	_ = 	snop  }
0x3b: {  	_ = 	snop  }
0x3c: {  	p2 =	seq.s32 s10, $0x1;
	s10 =	sld [smem:$0x3FAD]  }
0x3d: {  	_ =	shalt  }
0x3e: {  	_ =	shalt  }
0x3f: {  	_ =	shalt  }
0x40: {  	_ =	shalt  }
0x41: {  	_ =	shalt  }
0x42: {  	_ =	shalt  }
0x43: {  	_ =	shalt  }
0x44: {  	_ =	shalt  }
0x45: {  	_ =	shalt  }
0x46: {  	_ =	shalt  }
0x47: {  	_ =	shalt  }
0x48: {  	_ =	shalt  }
0x49: {  	_ =	shalt  }
0x4a: {  	_ =	shalt  }
0x4b: {  	_ =	shalt  }
0x4c: {  	_ =	shalt  }
0x4d: {  	_ =	shalt  }
0x4e: {  	_ =	shalt  }
0x4f: {  	_ =	shalt  }
0x50: {  	_ =	shalt  }
0x51: {  	_ =	shalt  }
0x52: {  	_ =	shalt  }
0x53: {  	_ =	shalt  }
0x54: {  	_ =	shalt  }
0x55: {  	_ =	shalt  }
0x56: {  	_ =	shalt  }
0x57: {  	_ =	shalt  }
0x58: {  	_ =	shalt  }
0x59: {  	_ =	shalt  }
0x5a: {  	_ =	shalt  }
0x5b: {  	_ =	shalt  }
0x5c: {  	_ =	shalt  }
0x5d: {  	_ =	shalt  }
0x5e: {  	_ =	shalt  }
0x5f: {  	_ =	shalt  }
0x60: {  	_ =	shalt  }
0x61: {  	_ =	shalt  }
0x62: {  	_ =	shalt  }
0x63: {  	_ =	shalt  }
0x64: {  	_ =	shalt  }
0x65: {  	_ =	shalt  }
0x66: {  	_ =	shalt  }
0x67: {  	_ =	shalt  }
0x68: {  	_ =	shalt  }
0x69: {  	_ =	shalt  }
0x6a: {  	_ =	shalt  }
0x6b: {  	_ =	shalt  }
0x6c: {  	_ =	shalt  }
0x6d: {  	_ =	shalt  }
0x6e: {  	_ =	shalt  }
0x6f: {  	_ =	shalt  }
0x70: {  	_ =	shalt  }
0x71: {  	_ =	shalt  }
0x72: {  	_ =	shalt  }
0x73: {  	_ =	shalt  }
0x74: {  	_ =	shalt  }
0x75: {  	_ =	shalt  }
0x76: {  	_ =	shalt  }
0x77: {  	_ =	shalt  }
0x78: {  	_ =	shalt  }
0x79: {  	_ =	shalt  }
0x7a: {  	_ =	shalt  }
0x7b: {  	_ =	shalt  }
0x7c: {  	_ =	shalt  }
0x7d: {  	_ =	shalt  }
0x7e: {  	_ =	shalt  }
0x7f: {  	_ =	shalt  }
0x80: {  	_ =	shalt  }
0x81: {  	_ =	shalt  }
0x82: {  	_ =	shalt  }
0x83: {  	_ =	shalt  }
0x84: {  	_ =	shalt  }
0x85: {  	_ =	shalt  }
0x86: {  	_ =	shalt  }
0x87: {  	_ =	shalt  }
.Lfunc_end0:
.L_simem_size_0:
called_computation.1_lowered:
.L_overlay_start_0:
0x88: {  	s2 =	sld [smem:$0x3FD9]  }
0x89: {  	s3 =	sld [smem:$0x3FFE];
	_ =	sdelay $0x1  }
0x8a: {  	s1 =	srdreg.scid  }
0x8b: {  	s0 =	sand.u32 $0x1, s1  }
0x8c: {  	s16 =	sshll.u32 s0, $0xA;
	s2 =	sadd.s32 s3, s2  }
0x8d: {  	s2 =	sadd.s32 s2, s16  }
0x8e: {  	[smem:$0x3FB9] =	sst s2  }
0x8f: {  	_ = 	snop  }
0x90: {  	(tm) =	ssettm $0x1  }
0x91: {  	s17 =	sld [smem:$0x3FFB];
	_ =	sdelay $0x3  }
0x92: {  	_ =	strace s17  }
0x93: {  	s2 =	sld [smem:$0x3FFC];
	_ =	sdelay $0x3  }
0x94: {  	_ =	strace s2  }
0x95: {  	s2 =	sld [smem:$0x3FFD];
	_ =	sdelay $0x3  }
0x96: {  	_ =	strace s2  }
0x97: {  	_ =	strace $0x8FFFFFFF  }
0x98: {  	s18 =	sld [smem:$0x3FDB];
	_ =	sdelay $0x1  }
0x99: {  	s19 =	simm.s32 $_scs_section_size  }
0x9a: {  	s4 =	simm.s32 $_size__tile_overlayer_lowered;
	s5 =	simm.s32 $_tile_overlayer_lowered  }
0x9b: {  	s22 =	simm.s32 $0x1BFF;
	s21 =	sshll.u32 s5, $0x1;
	s2 =	sadd.s32 s19, s18  }
0x9c: {  	s6 =	simm.s32 $0x0;
	s20 =	sshll.u32 s4, $0x1;
	s4 =	sadd.s32 s21, s2  }
0x9d: {  	[timem:s6], [sflag:s22] =	dma.local [hbm:s4], s20  }
0x9e: {  	_ =	swait.ge [sflag:s22], s20  }
0x9f: {  	s3 =	ssub.s32 $0x0, s20;
	[sflag:s22] =	ssyncset.done $0x0  }
0xa0: {  	[sflag:s22] =	ssyncadd.s32 s3;
	_ =	sdelay $0x1  }
0xa1: {  	s23 =	simm.s32 $0x1B8B  }
0xa2: {  	_ =	swait.ge [sflag:s23], $0x1  }
0xa3: {  	[sflag:s23] =	ssyncset.done $0x0  }
0xa4: {  	s25 =	simm.s32 $0x1B8E;
	s24 =	sld [smem:$0x3FFE];
	[sflag:s23] =	ssyncadd.s32 $0xFFFFFFFF  }
0xa5: {  	s26 =	simm.s32 $execute0_lowered;
	[smem:$0x3FD2] =	sst s25  }
0xa6: {  	s4 =	sshll.u32 s26, $0x1;
	_ =	strace $0x80000049;
	[dreg:$0x1] =	wrdreg $0xFFFFFFFF  }
0xa7: {  	s28 =	simm.s32 $_size_execute0_lowered;
	s2 =	sadd.s32 s2, s4;
	[dreg:$0x0] =	wrdreg $0x0  }
0xa8: {  	s4 =	sshll.u32 s28, $0x1;
	[dreg:$0x2] =	wrdreg s2  }
0xa9: {  	[dreg:$0x3] =	wrdreg s4  }
0xaa: {  	[dreg:$0x4] =	wrdreg $0xC0  }
0xab: {  	_ =	task [dreg:s6], $0x5FFFF  }
0xac: {  	[dreg:$0x1] =	wrdreg $0xFFFFFFFF  }
0xad: {  	[dreg:$0x0] =	wrdreg $0x60  }
0xae: {  	[dreg:$0x2] =	wrdreg s24  }
0xaf: {  	[dreg:$0x3] =	wrdreg $0x90000  }
0xb0: {  	[dreg:$0x4] =	wrdreg $0x9  }
0xb1: {  	_ =	task.clear_ibuf [dreg:s6], $0x5FFFF;
	_ =	strace $0x90000049  }
0xb2: {  	s29 =	simm.s32 $0x9;
	_ =	strace $0x8000004B  }
0xb3: {  	_ =	swait.ge [sflag:s29], $0x1  }
0xb4: {  	[sflag:s29] =	ssyncadd.s32 $0xFFFFFFFF  }
0xb5: {  	_ =	strace $0x9000004B  }
0xb6: {  	_ =	sfence  }
0xb7: {  	s30 =	sld [smem:$0x0];
	_ =	sdelay $0x2  }
0xb8: {  	s31 =	sshll.u32 s1, $0xD;
	s1 =	sshrl.u32 s1, $0x2  }
0xb9: {  	s3 =	sand.u32 $0x4000, s31;
	s1 =	sadd.s32 s1, s30  }
0xba: {  	s0 =	sor.u32 s3, s0;
	s1 =	sshll.u32 s1, $0x11  }
0xbb: {  	s0 =	sor.u32 s1, s0  }
0xbc: {  	s0 =	sadd.s32 $0x8F2B, s0  }
0xbd: {  	[sflag:s0] =	ssyncadd.remote.s32 $0x1  }
0xbe: {  	_ =	sfence.sel $0xFFFF  }
0xbf: {  	[dreg:$0x0] =	wrdreg $0xFFFFFFFF;
	(pc) =	sbr.abs _section_cstart, $3  }
0xc0: {  	[dreg:$0x1] =	wrdreg $0xFFFFFFFF  }
0xc1: {  	_ =	task.clear_ibuf [dreg:s6], $0x2FFFF;
	_ =	strace $0x9FFFFFFF  }
0xc2: {  	(tm) =	ssettm $0x7FFFFFFF  }
0xc3: {  	_ =	shalt  }
tec
execute0_lowered:
.L_overlay_start_1:
0x0: {  	(tag) =	ssettag $0x1  }
0x1: {  	s0 =	srdreg.scid  }
0x2: {  	s6 =	rddreg [dreg:$0x0];
	s5 =	sand.u32 $0x1, s0;
	s0 =	stileid.u32  }
0x3: {  	s2 =	rddreg [dreg:$0x1];
	s3 =	simm.s32 $0x0;
	s14 =	smul.u32 $0x2800, s0  }
0x4: {  	s13 =	simm.s32 $0x1;
	[smem:$0x7FF] =	sst s3;
	s8 =	smul.u32 $0x28000, s5  }
0x5: {  	s4 =	sadd.s32 $0x3F800, s6;
	s1 =	sshll.u32 s5, $0x4;
	s9 =	smul.u32 $0x50000, s0  }
0x6: {  	s5 =	ssub.s32 $0x2, s5;
	s31 =	sshll.u32 s0, $0x6;
	s1 =	sor.u32 s0, s1  }
0x7: {  	s30 =	sshrl.u32 s5, $0x1;
	s7 =	smul.u32 $0xA00, s1;
	s1 =	rddreg [dreg:$0x2]  }
0x8: {  	_ =	strace $0x8000004A;
	s10 =	sadd.s32 s14, s6;
	s9 =	sshrl.u32 s9, $0x2  }
0x9: {  	s8 =	sadd.s32 s8, s6;
	s11 =	ssub.s32 s5, s30;
	s12 =	sadd.s32 s9, s2  }
0xa: {  	s15 =	sadd.s32 $0x67800, s8;
	s8 =	simm.s32 $0x2;
	s9 =	sor.u32 $0x1C02, s31  }
0xb: {  	s7 =	sadd.s32 s7, s6;
	s6 =	sadd.s32 $0x17800, s10;
	s10 =	sshrl.u32 s12, $0x3  }
0xc: {  	s12 =	simm.s32 $0x5000;
	s14 =	sadd.s32 s14, s15;
	s15 =	simm.s32 $0x0  }
0xd: {  	s5 =	sadd.s32 $0x3800, s7;
	s7 =	smax.u32 s11, $0x1;
	s11 =	simm.s32 $0x7D  }
.LBB2_1:
0xe: {  	[tilespmem:s3], [sflag:$0x2] =	stream.linear.gather [hbm4b:s5+s3], $0x5000, $0x38;
	[tilespmem:$0x1D000] =	vst v63  }
0xf: {  	_ =	swait.ge [sflag:s8], $0x5000  }
0x10: {  	[sflag:s8] =	ssyncset.done $0x0  }
0x11: {  	[sflag:s8] =	ssyncadd.s32 $0xFFFFB000  }
0x12: {  	[spmem:s10], [sflag:s9] =	dma.local [hbm:s6], $0x2800  }
0x13: {  	_ =	swait.ge [sflag:s8], $0x2800  }
0x14: {  	[sflag:s8] =	ssyncset.done $0x0  }
0x15: {  	[sflag:s8] =	ssyncadd.s32 $0xFFFFD800  }
0x16: {  	s16 =	simm.s32 $0x0;
	[bflag:$0x0] =	sbarrier.arrive $0xFFFF  }
0x17: {  	[tilespmem:s12], [sflag:$0x1] =	stream.indirect.gather [hbm4b:s4+s11], $0x80, s16, s11, $0xb8;
	[tilespmem:$0x1D000] =	vst v63  }
0x18: {  	_ =	swait.ge [sflag:s13], $0x3E80  }
0x19: {  	[sflag:s13] =	ssyncset.done $0x0  }
0x1a: {  	s31 =	simm.s32 $0x2800;
	[sflag:s13] =	ssyncadd.s32 $0xFFFFC180  }
0x1b: {  	[spmem:s2] =	stream.indirect.scatter.add.f32 [tilespmem:s12], [sflag:$0x2], $0x80, s31, s11, $0xb8;
	[tilespmem:$0x1D000] =	vst v63  }
0x1c: {  	_ =	swait.ge [sflag:s8], $0x3E80  }
0x1d: {  	s17 =	simm.s32 $0x400;
	s16 =	simm.s32 $0x200;
	[sflag:s8] =	ssyncset.done $0x0  }
.LBB2_2:
0x1e: {  	s18 =	sshra.s32 s16, $0x2  }
0x1f: {  	[sflag:s8] =	ssyncadd.s32 $0xFFFFC180;
	s16 =	smov.u32 s17;
	s19 =	sadd.s32 $0x200, s17  }
0x20: {  	[tilespmem:s12], [sflag:$0x1] =	stream.indirect.gather [hbm4b:s4+s11], $0x80, s18, s11, $0xb8;
	[tilespmem:$0x1D000] =	vst v63  }
0x21: {  	p0 =	sne.s32 s17, $0x9E00;
	_ =	swait.ge [sflag:s13], $0x3E80  }
.Ltmp0:
0x22: {  	[sflag:s13] =	ssyncset.done $0x0;
	(pc) =	sbr.rel @p0 .LBB2_2-.Ltmp0, $4  }
0x23: {  	s17 =	sadd.s32 $0x2800, s18;
	[sflag:s13] =	ssyncadd.s32 $0xFFFFC180  }
0x24: {  	[spmem:s2] =	stream.indirect.scatter.add.f32 [tilespmem:s12], [sflag:$0x2], $0x80, s17, s11, $0xb8;
	[tilespmem:$0x1D000] =	vst v63  }
0x25: {  	_ =	swait.ge [sflag:s8], $0x3E80  }
0x26: {  	s17 =	smov.u32 s19;
	[sflag:s8] =	ssyncset.done $0x0  }
0x27: {  	s16 =	sshra.s32 s16, $0x2;
	[sflag:s8] =	ssyncadd.s32 $0xFFFFC180  }
0x28: {  	[tilespmem:s12], [sflag:$0x1] =	stream.indirect.gather [hbm4b:s4+s11], $0x80, s16, s11, $0xb8;
	[tilespmem:$0x1D000] =	vst v63  }
0x29: {  	_ =	swait.ge [sflag:s13], $0x3E80  }
0x2a: {  	[sflag:s13] =	ssyncset.done $0x0  }
0x2b: {  	s16 =	sadd.s32 $0x2800, s16;
	[sflag:s13] =	ssyncadd.s32 $0xFFFFC180  }
0x2c: {  	[spmem:s2] =	stream.indirect.scatter.add.f32 [tilespmem:s12], [sflag:$0x2], $0x80, s16, s11, $0xb8;
	[tilespmem:$0x1D000] =	vst v63  }
0x2d: {  	_ =	swait.ge [sflag:s8], $0x3E80  }
0x2e: {  	s15 =	sadd.s32 $0x1, s15;
	[sflag:s8] =	ssyncset.done $0x0  }
0x2f: {  	p0 =	sne.s32 s15, s7;
	[sflag:s8] =	ssyncadd.s32 $0xFFFFC180  }
.Ltmp1:
0x30: {  	[bflag:$0x0] =	sbarrier.arrive $0xFFFF;
	(pc) =	sbr.rel @p0 .LBB2_1-.Ltmp1, $4  }
0x31: {  	[hbm:s14], [sflag:s9] =	dma.local [spmem:s10], $0x2800  }
0x32: {  	_ =	swait.ge [sflag:s8], $0x2800  }
0x33: {  	[sflag:s8] =	ssyncset.done $0x0  }
0x34: {  	[sflag:s8] =	ssyncadd.s32 $0xFFFFD800  }
0x35: {  	_ =	sfence.sel $0x180000  }
0x36: {  	[bflag:$0x0] =	sbarrier.arrive $0xFFFF  }
0x37: {  	p0 =	sne.s32 s0, $0x0;
	_ =	strace $0x9000004A  }
0x38: {  	s0 =	sadd.s32 @!p0 $0x100000, s1;
	[bflag:$0x2] =	sbarrier.arrive $0xFFFF  }
0x39: {  	[sflag:s0] =	ssyncadd.tile.s32 @!p0 $0x1;
	_ =	shalt  }
.Lfunc_end2:
_tile_overlayer_lowered:
.L_overlay_start_2:
0x3a: {  	(tag) =	ssettag $0x2  }
0x3b: {  	s0 =	rddreg [dreg:$0x0];
	s2 =	stileid.u32  }
0x3c: {  	s1 =	rddreg [dreg:$0x1];
	p0 =	sne.s32 s2, $0x0  }
0x3d: {  	s3 =	rddreg [dreg:$0x2];
	[bflag:$0x3] =	sbarrier.arrive $0xFFFF;
	s2 =	simm.s32 @!p0 $0x1C02  }
0x3e: {  	[timem:s3], [sflag:s2] =	dma.local @!p0 [hbm:s0], s1  }
0x3f: {  	s0 =	simm.s32 @!p0 $0x2  }
0x40: {  	_ =	swait.ge @!p0 [sflag:s0], s1  }
0x41: {  	s1 =	ssub.s32 @!p0 $0x0, s1;
	[sflag:s0] =	ssyncset.done @!p0 $0x0  }
0x42: {  	[sflag:s0] =	ssyncadd.s32 @!p0 s1  }
0x43: {  	[bflag:$0x3] =	sbarrier.arrive $0xFFFF  }
0x44: {  	_ =	shalt  }

// kernel: kernel.16.cloned.1.call-start
scs
__scs_entry_jumppad:
0x0: {  	(pc) =	sbr.rel $0x88, $3  }
0x1: {  	(tag) =	ssettag $0x0;
	lr =	simm.s32 $0x1  }
0x2: {  	[smem:$0x3F92] =	sst lr;
	_ =	strace $0xD0000000  }
0x3: {  	_ = 	snop  }
0x4: {  	_ = 	snop  }
0x5: {  	_ = 	snop  }
0x6: {  	_ = 	snop  }
0x7: {  	_ = 	snop  }
__scs_overlays_trampoline_lowered:
0x8: {  	[smem:$0x3FA1] =	sst s0  }
0x9: {  	[smem:$0x3FA2] =	sst s1  }
0xa: {  	[smem:$0x3FA3] =	sst s2  }
0xb: {  	[smem:$0x3FA4] =	sst s3  }
0xc: {  	[smem:$0x3FA5] =	sst s4  }
0xd: {  	[smem:$0x3FA6] =	sst s5  }
0xe: {  	[smem:$0x3FA7] =	sst s6  }
0xf: {  	[smem:$0x3FA8] =	sst s7  }
0x10: {  	[smem:$0x3FA9] =	sst s8  }
0x11: {  	[smem:$0x3FAA] =	sst s9;
	s0 =	simm.s32 @!p0 $0x0  }
0x12: {  	s1 =	sld [smem:$0x3F90];
	s0 =	simm.s32 @p0 $0x1  }
0x13: {  	[smem:$0x3FAB] =	sst s0;
	s0 =	simm.s32 @!p1 $0x0  }
0x14: {  	s2 =	sld [smem:$0x3F8F];
	s0 =	simm.s32 @p1 $0x1  }
0x15: {  	[smem:$0x3FAC] =	sst s0;
	s0 =	simm.s32 @!p2 $0x0  }
0x16: {  	s3 =	sld [smem:$0x3FDB];
	s0 =	simm.s32 @p2 $0x1  }
0x17: {  	s4 =	simm.s32 $0x1BF5;
	[smem:$0x3FAE] =	sst s0  }
0x18: {  	s0 =	sld [smem:$0x3F91];
	_ =	swait.ge [sflag:s4], $0x0  }
0x19: {  	s7 =	sld [smem:$0x3F92]  }
0x1a: {  	s8 =	sadd.s32 $0xFFFFE003, lr  }
0x1b: {  	s9 =	sadd.s32 $0xFFFFFEF7, lr;
	s5 =	simm.s32 $0xFFFFFFFF;
	p2 =	slt.u32 s8, $0xFFFFF086  }
0x1c: {  	p1 =	slt.u32 s9, $0xF7A;
	s5 =	simm.s32 @!p2 $0x0  }
0x1d: {  	s5 =	simm.s32 @p1 $0x1;
	p0 =	seq.s32 s7, s2  }
0x1e: {  	s7 =	smul.u32 @!p0 $0xF7A, s2;
	p2 =	seq.s32 @!p0 s5, $0x0  }
0x1f: {  	s9 =	smul.u32 $0xF7A, s1;
	s8 =	simm.s32 @!p0 $0x1BF5;
	p2 =	por !p2, p0  }
0x20: {  	[sflag:s8] =	ssyncset.s32 @!p0 $0xFFFFF086;
	s6 =	sadd.s32 @!p0 s3, s7;
	s7 =	simm.s32 @!p0 $0x108  }
0x21: {  	s3 =	sadd.s32 s3, s9;
	s6 =	sadd.s32 @!p0 $0x88, s6;
	s7 =	simm.s32 @p2 $0x1082  }
0x22: {  	[simem:s7], [sflag:s8] =	dma.local @!p0 [hbm:s6], $0xF7A  }
0x23: {  	s9 =	sor.u32 $0xD0000000, s2;
	s6 =	simm.s32 $0x108;
	_ =	swait.ge @!p0 [sflag:s8], $0x0  }
0x24: {  	s3 =	sadd.s32 $0x88, s3;
	s6 =	simm.s32 @!p1 $0x1082;
	[sflag:s4] =	ssyncset.s32 $0xFFFFF086  }
0x25: {  	[simem:s6], [sflag:s4] =	dma.local [hbm:s3], $0xF7A  }
0x26: {  	[smem:$0x3F92] =	sst s1;
	(tag) =	ssettag s2;
	_ =	strace s9  }
0x27: {  	s1 =	sld [smem:$0x3FA2]  }
0x28: {  	s2 =	sld [smem:$0x3FA3]  }
0x29: {  	s4 =	sld [smem:$0x3FA5]  }
0x2a: {  	p0 =	seq.s32 s5, $0x0;
	s5 =	sld [smem:$0x3FA6]  }
0x2b: {  	s6 =	sld [smem:$0x3FA7]  }
0x2c: {  	s7 =	sld [smem:$0x3FA8]  }
0x2d: {  	s3 =	simm.s32 $0x108;
	s8 =	sld [smem:$0x3FA9]  }
0x2e: {  	s3 =	simm.s32 @!p0 $0x1082;
	s9 =	sld [smem:$0x3FAA]  }
0x2f: {  	lr =	sadd.s32 s0, s3;
	s0 =	sld [smem:$0x3FA1]  }
0x30: {  	s3 =	sld [smem:$0x3FA4]  }
0x31: {  	[smem:$0x3FAD] =	sst s10  }
0x32: {  	s10 =	sld [smem:$0x3FAB];
	_ =	sdelay $0x3  }
0x33: {  	p0 =	seq.s32 s10, $0x1;
	s10 =	sld [smem:$0x3FAD];
	_ =	sdelay $0x3  }
0x34: {  	[smem:$0x3FAD] =	sst s10  }
0x35: {  	s10 =	sld [smem:$0x3FAC];
	_ =	sdelay $0x3  }
0x36: {  	p1 =	seq.s32 s10, $0x1;
	s10 =	sld [smem:$0x3FAD];
	_ =	sdelay $0x3  }
0x37: {  	[smem:$0x3FAD] =	sst s10  }
0x38: {  	s10 =	sld [smem:$0x3FAE]  }
0x39: {  	_ = 	snop;
	(pc) =	sbr.ind lr, $3  }
0x3a: {  	_ = 	snop  }
0x3b: {  	_ = 	snop  }
0x3c: {  	p2 =	seq.s32 s10, $0x1;
	s10 =	sld [smem:$0x3FAD]  }
0x3d: {  	_ =	shalt  }
0x3e: {  	_ =	shalt  }
0x3f: {  	_ =	shalt  }
0x40: {  	_ =	shalt  }
0x41: {  	_ =	shalt  }
0x42: {  	_ =	shalt  }
0x43: {  	_ =	shalt  }
0x44: {  	_ =	shalt  }
0x45: {  	_ =	shalt  }
0x46: {  	_ =	shalt  }
0x47: {  	_ =	shalt  }
0x48: {  	_ =	shalt  }
0x49: {  	_ =	shalt  }
0x4a: {  	_ =	shalt  }
0x4b: {  	_ =	shalt  }
0x4c: {  	_ =	shalt  }
0x4d: {  	_ =	shalt  }
0x4e: {  	_ =	shalt  }
0x4f: {  	_ =	shalt  }
0x50: {  	_ =	shalt  }
0x51: {  	_ =	shalt  }
0x52: {  	_ =	shalt  }
0x53: {  	_ =	shalt  }
0x54: {  	_ =	shalt  }
0x55: {  	_ =	shalt  }
0x56: {  	_ =	shalt  }
0x57: {  	_ =	shalt  }
0x58: {  	_ =	shalt  }
0x59: {  	_ =	shalt  }
0x5a: {  	_ =	shalt  }
0x5b: {  	_ =	shalt  }
0x5c: {  	_ =	shalt  }
0x5d: {  	_ =	shalt  }
0x5e: {  	_ =	shalt  }
0x5f: {  	_ =	shalt  }
0x60: {  	_ =	shalt  }
0x61: {  	_ =	shalt  }
0x62: {  	_ =	shalt  }
0x63: {  	_ =	shalt  }
0x64: {  	_ =	shalt  }
0x65: {  	_ =	shalt  }
0x66: {  	_ =	shalt  }
0x67: {  	_ =	shalt  }
0x68: {  	_ =	shalt  }
0x69: {  	_ =	shalt  }
0x6a: {  	_ =	shalt  }
0x6b: {  	_ =	shalt  }
0x6c: {  	_ =	shalt  }
0x6d: {  	_ =	shalt  }
0x6e: {  	_ =	shalt  }
0x6f: {  	_ =	shalt  }
0x70: {  	_ =	shalt  }
0x71: {  	_ =	shalt  }
0x72: {  	_ =	shalt  }
0x73: {  	_ =	shalt  }
0x74: {  	_ =	shalt  }
0x75: {  	_ =	shalt  }
0x76: {  	_ =	shalt  }
0x77: {  	_ =	shalt  }
0x78: {  	_ =	shalt  }
0x79: {  	_ =	shalt  }
0x7a: {  	_ =	shalt  }
0x7b: {  	_ =	shalt  }
0x7c: {  	_ =	shalt  }
0x7d: {  	_ =	shalt  }
0x7e: {  	_ =	shalt  }
0x7f: {  	_ =	shalt  }
0x80: {  	_ =	shalt  }
0x81: {  	_ =	shalt  }
0x82: {  	_ =	shalt  }
0x83: {  	_ =	shalt  }
0x84: {  	_ =	shalt  }
0x85: {  	_ =	shalt  }
0x86: {  	_ =	shalt  }
0x87: {  	_ =	shalt  }
.Lfunc_end0:
.L_simem_size_0:
called_computation.2_lowered:
.L_overlay_start_0:
0x88: {  	s2 =	sld [smem:$0x3FD9]  }
0x89: {  	s3 =	sld [smem:$0x3FFE];
	_ =	sdelay $0x1  }
0x8a: {  	s1 =	srdreg.scid  }
0x8b: {  	s0 =	sand.u32 $0x1, s1  }
0x8c: {  	s16 =	sshll.u32 s0, $0xA;
	s2 =	sadd.s32 s3, s2  }
0x8d: {  	s2 =	sadd.s32 s2, s16  }
0x8e: {  	[smem:$0x3FB9] =	sst s2  }
0x8f: {  	_ = 	snop  }
0x90: {  	(tm) =	ssettm $0x1  }
0x91: {  	s17 =	sld [smem:$0x3FFB];
	_ =	sdelay $0x3  }
0x92: {  	_ =	strace s17  }
0x93: {  	s2 =	sld [smem:$0x3FFC];
	_ =	sdelay $0x3  }
0x94: {  	_ =	strace s2  }
0x95: {  	s2 =	sld [smem:$0x3FFD];
	_ =	sdelay $0x3  }
0x96: {  	_ =	strace s2  }
0x97: {  	_ =	strace $0x8FFFFFFF  }
0x98: {  	s18 =	sld [smem:$0x3FDB];
	_ =	sdelay $0x1  }
0x99: {  	s19 =	simm.s32 $_scs_section_size  }
0x9a: {  	s4 =	simm.s32 $_size__tile_overlayer_lowered;
	s5 =	simm.s32 $_tile_overlayer_lowered  }
0x9b: {  	s22 =	simm.s32 $0x1BFF;
	s21 =	sshll.u32 s5, $0x1;
	s2 =	sadd.s32 s19, s18  }
0x9c: {  	s6 =	simm.s32 $0x0;
	s20 =	sshll.u32 s4, $0x1;
	s4 =	sadd.s32 s21, s2  }
0x9d: {  	[timem:s6], [sflag:s22] =	dma.local [hbm:s4], s20  }
0x9e: {  	_ =	swait.ge [sflag:s22], s20  }
0x9f: {  	s3 =	ssub.s32 $0x0, s20;
	[sflag:s22] =	ssyncset.done $0x0  }
0xa0: {  	[sflag:s22] =	ssyncadd.s32 s3;
	_ =	sdelay $0x1  }
0xa1: {  	s23 =	simm.s32 $0x1B8B  }
0xa2: {  	_ =	swait.ge [sflag:s23], $0x1  }
0xa3: {  	[sflag:s23] =	ssyncset.done $0x0  }
0xa4: {  	s25 =	simm.s32 $0x1B8E;
	s24 =	sld [smem:$0x3FFE];
	[sflag:s23] =	ssyncadd.s32 $0xFFFFFFFF  }
0xa5: {  	s26 =	simm.s32 $execute0_lowered;
	[smem:$0x3FD2] =	sst s25  }
0xa6: {  	s4 =	sshll.u32 s26, $0x1;
	_ =	strace $0x8000004C;
	[dreg:$0x1] =	wrdreg $0xFFFFFFFF  }
0xa7: {  	s28 =	simm.s32 $_size_execute0_lowered;
	s2 =	sadd.s32 s2, s4;
	[dreg:$0x0] =	wrdreg $0x0  }
0xa8: {  	s4 =	sshll.u32 s28, $0x1;
	[dreg:$0x2] =	wrdreg s2  }
0xa9: {  	[dreg:$0x3] =	wrdreg s4  }
0xaa: {  	[dreg:$0x4] =	wrdreg $0xC0  }
0xab: {  	_ =	task [dreg:s6], $0x5FFFF  }
0xac: {  	[dreg:$0x1] =	wrdreg $0xFFFFFFFF  }
0xad: {  	[dreg:$0x0] =	wrdreg $0x60  }
0xae: {  	[dreg:$0x2] =	wrdreg s24  }
0xaf: {  	[dreg:$0x3] =	wrdreg $0x90000  }
0xb0: {  	[dreg:$0x4] =	wrdreg $0x9  }
0xb1: {  	_ =	task.clear_ibuf [dreg:s6], $0x5FFFF;
	_ =	strace $0x9000004C  }
0xb2: {  	s29 =	simm.s32 $0x9;
	_ =	strace $0x8000004E  }
0xb3: {  	_ =	swait.ge [sflag:s29], $0x1  }
0xb4: {  	[sflag:s29] =	ssyncadd.s32 $0xFFFFFFFF  }
0xb5: {  	_ =	strace $0x9000004E  }
0xb6: {  	_ =	sfence  }
0xb7: {  	s30 =	sld [smem:$0x0];
	_ =	sdelay $0x2  }
0xb8: {  	s31 =	sshll.u32 s1, $0xD;
	s1 =	sshrl.u32 s1, $0x2  }
0xb9: {  	s3 =	sand.u32 $0x4000, s31;
	s1 =	sadd.s32 s1, s30  }
0xba: {  	s0 =	sor.u32 s3, s0;
	s1 =	sshll.u32 s1, $0x11  }
0xbb: {  	s0 =	sor.u32 s1, s0  }
0xbc: {  	s0 =	sadd.s32 $0x8F2B, s0  }
0xbd: {  	[sflag:s0] =	ssyncadd.remote.s32 $0x1  }
0xbe: {  	_ =	sfence.sel $0xFFFF  }
0xbf: {  	[dreg:$0x0] =	wrdreg $0xFFFFFFFF;
	(pc) =	sbr.abs _section_cstart, $3  }
0xc0: {  	[dreg:$0x1] =	wrdreg $0xFFFFFFFF  }
0xc1: {  	_ =	task.clear_ibuf [dreg:s6], $0x2FFFF;
	_ =	strace $0x9FFFFFFF  }
0xc2: {  	(tm) =	ssettm $0x7FFFFFFF  }
0xc3: {  	_ =	shalt  }
tec
execute0_lowered:
.L_overlay_start_1:
0x0: {  	(tag) =	ssettag $0x1  }
0x1: {  	s0 =	srdreg.scid  }
0x2: {  	s6 =	rddreg [dreg:$0x0];
	s5 =	sand.u32 $0x1, s0;
	s0 =	stileid.u32  }
0x3: {  	s2 =	rddreg [dreg:$0x1];
	s3 =	simm.s32 $0x0;
	s14 =	smul.u32 $0x2800, s0  }
0x4: {  	s13 =	simm.s32 $0x1;
	[smem:$0x7FF] =	sst s3;
	s8 =	smul.u32 $0x28000, s5  }
0x5: {  	s4 =	sadd.s32 $0x3F800, s6;
	s1 =	sshll.u32 s5, $0x4;
	s9 =	smul.u32 $0x50000, s0  }
0x6: {  	s5 =	ssub.s32 $0x2, s5;
	s31 =	sshll.u32 s0, $0x6;
	s1 =	sor.u32 s0, s1  }
0x7: {  	s30 =	sshrl.u32 s5, $0x1;
	s7 =	smul.u32 $0xA00, s1;
	s1 =	rddreg [dreg:$0x2]  }
0x8: {  	_ =	strace $0x8000004D;
	s10 =	sadd.s32 s14, s6;
	s9 =	sshrl.u32 s9, $0x2  }
0x9: {  	s8 =	sadd.s32 s8, s6;
	s11 =	ssub.s32 s5, s30;
	s12 =	sadd.s32 s9, s2  }
0xa: {  	s15 =	sadd.s32 $0x67800, s8;
	s8 =	simm.s32 $0x2;
	s9 =	sor.u32 $0x1C02, s31  }
0xb: {  	s7 =	sadd.s32 s7, s6;
	s6 =	sadd.s32 $0x17800, s10;
	s10 =	sshrl.u32 s12, $0x3  }
0xc: {  	s12 =	simm.s32 $0x5000;
	s14 =	sadd.s32 s14, s15;
	s15 =	simm.s32 $0x0  }
0xd: {  	s5 =	sadd.s32 $0x3800, s7;
	s7 =	smax.u32 s11, $0x1;
	s11 =	simm.s32 $0x7D  }
.LBB2_1:
0xe: {  	[tilespmem:s3], [sflag:$0x2] =	stream.linear.gather [hbm4b:s5+s3], $0x5000, $0x38;
	[tilespmem:$0x1D000] =	vst v63  }
0xf: {  	_ =	swait.ge [sflag:s8], $0x5000  }
0x10: {  	[sflag:s8] =	ssyncset.done $0x0  }
0x11: {  	[sflag:s8] =	ssyncadd.s32 $0xFFFFB000  }
0x12: {  	[spmem:s10], [sflag:s9] =	dma.local [hbm:s6], $0x2800  }
0x13: {  	_ =	swait.ge [sflag:s8], $0x2800  }
0x14: {  	[sflag:s8] =	ssyncset.done $0x0  }
0x15: {  	[sflag:s8] =	ssyncadd.s32 $0xFFFFD800  }
0x16: {  	s16 =	simm.s32 $0x0;
	[bflag:$0x0] =	sbarrier.arrive $0xFFFF  }
0x17: {  	[tilespmem:s12], [sflag:$0x1] =	stream.indirect.gather [hbm4b:s4+s11], $0x80, s16, s11, $0xb8;
	[tilespmem:$0x1D000] =	vst v63  }
0x18: {  	_ =	swait.ge [sflag:s13], $0x3E80  }
0x19: {  	[sflag:s13] =	ssyncset.done $0x0  }
0x1a: {  	s31 =	simm.s32 $0x2800;
	[sflag:s13] =	ssyncadd.s32 $0xFFFFC180  }
0x1b: {  	[spmem:s2] =	stream.indirect.scatter.add.f32 [tilespmem:s12], [sflag:$0x2], $0x80, s31, s11, $0xb8;
	[tilespmem:$0x1D000] =	vst v63  }
0x1c: {  	_ =	swait.ge [sflag:s8], $0x3E80  }
0x1d: {  	s17 =	simm.s32 $0x400;
	s16 =	simm.s32 $0x200;
	[sflag:s8] =	ssyncset.done $0x0  }
.LBB2_2:
0x1e: {  	s18 =	sshra.s32 s16, $0x2  }
0x1f: {  	[sflag:s8] =	ssyncadd.s32 $0xFFFFC180;
	s16 =	smov.u32 s17;
	s19 =	sadd.s32 $0x200, s17  }
0x20: {  	[tilespmem:s12], [sflag:$0x1] =	stream.indirect.gather [hbm4b:s4+s11], $0x80, s18, s11, $0xb8;
	[tilespmem:$0x1D000] =	vst v63  }
0x21: {  	p0 =	sne.s32 s17, $0x9E00;
	_ =	swait.ge [sflag:s13], $0x3E80  }
.Ltmp0:
0x22: {  	[sflag:s13] =	ssyncset.done $0x0;
	(pc) =	sbr.rel @p0 .LBB2_2-.Ltmp0, $4  }
0x23: {  	s17 =	sadd.s32 $0x2800, s18;
	[sflag:s13] =	ssyncadd.s32 $0xFFFFC180  }
0x24: {  	[spmem:s2] =	stream.indirect.scatter.add.f32 [tilespmem:s12], [sflag:$0x2], $0x80, s17, s11, $0xb8;
	[tilespmem:$0x1D000] =	vst v63  }
0x25: {  	_ =	swait.ge [sflag:s8], $0x3E80  }
0x26: {  	s17 =	smov.u32 s19;
	[sflag:s8] =	ssyncset.done $0x0  }
0x27: {  	s16 =	sshra.s32 s16, $0x2;
	[sflag:s8] =	ssyncadd.s32 $0xFFFFC180  }
0x28: {  	[tilespmem:s12], [sflag:$0x1] =	stream.indirect.gather [hbm4b:s4+s11], $0x80, s16, s11, $0xb8;
	[tilespmem:$0x1D000] =	vst v63  }
0x29: {  	_ =	swait.ge [sflag:s13], $0x3E80  }
0x2a: {  	[sflag:s13] =	ssyncset.done $0x0  }
0x2b: {  	s16 =	sadd.s32 $0x2800, s16;
	[sflag:s13] =	ssyncadd.s32 $0xFFFFC180  }
0x2c: {  	[spmem:s2] =	stream.indirect.scatter.add.f32 [tilespmem:s12], [sflag:$0x2], $0x80, s16, s11, $0xb8;
	[tilespmem:$0x1D000] =	vst v63  }
0x2d: {  	_ =	swait.ge [sflag:s8], $0x3E80  }
0x2e: {  	s15 =	sadd.s32 $0x1, s15;
	[sflag:s8] =	ssyncset.done $0x0  }
0x2f: {  	p0 =	sne.s32 s15, s7;
	[sflag:s8] =	ssyncadd.s32 $0xFFFFC180  }
.Ltmp1:
0x30: {  	[bflag:$0x0] =	sbarrier.arrive $0xFFFF;
	(pc) =	sbr.rel @p0 .LBB2_1-.Ltmp1, $4  }
0x31: {  	[hbm:s14], [sflag:s9] =	dma.local [spmem:s10], $0x2800  }
0x32: {  	_ =	swait.ge [sflag:s8], $0x2800  }
0x33: {  	[sflag:s8] =	ssyncset.done $0x0  }
0x34: {  	[sflag:s8] =	ssyncadd.s32 $0xFFFFD800  }
0x35: {  	_ =	sfence.sel $0x180000  }
0x36: {  	[bflag:$0x0] =	sbarrier.arrive $0xFFFF  }
0x37: {  	p0 =	sne.s32 s0, $0x0;
	_ =	strace $0x9000004D  }
0x38: {  	s0 =	sadd.s32 @!p0 $0x100000, s1;
	[bflag:$0x2] =	sbarrier.arrive $0xFFFF  }
0x39: {  	[sflag:s0] =	ssyncadd.tile.s32 @!p0 $0x1;
	_ =	shalt  }
.Lfunc_end2:
_tile_overlayer_lowered:
.L_overlay_start_2:
0x3a: {  	(tag) =	ssettag $0x2  }
0x3b: {  	s0 =	rddreg [dreg:$0x0];
	s2 =	stileid.u32  }
0x3c: {  	s1 =	rddreg [dreg:$0x1];
	p0 =	sne.s32 s2, $0x0  }
0x3d: {  	s3 =	rddreg [dreg:$0x2];
	[bflag:$0x3] =	sbarrier.arrive $0xFFFF;
	s2 =	simm.s32 @!p0 $0x1C02  }
0x3e: {  	[timem:s3], [sflag:s2] =	dma.local @!p0 [hbm:s0], s1  }
0x3f: {  	s0 =	simm.s32 @!p0 $0x2  }
0x40: {  	_ =	swait.ge @!p0 [sflag:s0], s1  }
0x41: {  	s1 =	ssub.s32 @!p0 $0x0, s1;
	[sflag:s0] =	ssyncset.done @!p0 $0x0  }
0x42: {  	[sflag:s0] =	ssyncadd.s32 @!p0 s1  }
0x43: {  	[bflag:$0x3] =	sbarrier.arrive $0xFFFF  }
0x44: {  	_ =	shalt  }

// kernel: kernel.19.cloned.1.call-start
scs
__scs_entry_jumppad:
0x0: {  	(pc) =	sbr.rel $0x88, $3  }
0x1: {  	(tag) =	ssettag $0x0;
	lr =	simm.s32 $0x1  }
0x2: {  	[smem:$0x3F92] =	sst lr;
	_ =	strace $0xD0000000  }
0x3: {  	_ = 	snop  }
0x4: {  	_ = 	snop  }
0x5: {  	_ = 	snop  }
0x6: {  	_ = 	snop  }
0x7: {  	_ = 	snop  }
__scs_overlays_trampoline_lowered:
0x8: {  	[smem:$0x3FA1] =	sst s0  }
0x9: {  	[smem:$0x3FA2] =	sst s1  }
0xa: {  	[smem:$0x3FA3] =	sst s2  }
0xb: {  	[smem:$0x3FA4] =	sst s3  }
0xc: {  	[smem:$0x3FA5] =	sst s4  }
0xd: {  	[smem:$0x3FA6] =	sst s5  }
0xe: {  	[smem:$0x3FA7] =	sst s6  }
0xf: {  	[smem:$0x3FA8] =	sst s7  }
0x10: {  	[smem:$0x3FA9] =	sst s8  }
0x11: {  	[smem:$0x3FAA] =	sst s9;
	s0 =	simm.s32 @!p0 $0x0  }
0x12: {  	s1 =	sld [smem:$0x3F90];
	s0 =	simm.s32 @p0 $0x1  }
0x13: {  	[smem:$0x3FAB] =	sst s0;
	s0 =	simm.s32 @!p1 $0x0  }
0x14: {  	s2 =	sld [smem:$0x3F8F];
	s0 =	simm.s32 @p1 $0x1  }
0x15: {  	[smem:$0x3FAC] =	sst s0;
	s0 =	simm.s32 @!p2 $0x0  }
0x16: {  	s3 =	sld [smem:$0x3FDB];
	s0 =	simm.s32 @p2 $0x1  }
0x17: {  	s4 =	simm.s32 $0x1BF5;
	[smem:$0x3FAE] =	sst s0  }
0x18: {  	s0 =	sld [smem:$0x3F91];
	_ =	swait.ge [sflag:s4], $0x0  }
0x19: {  	s7 =	sld [smem:$0x3F92]  }
0x1a: {  	s8 =	sadd.s32 $0xFFFFE003, lr  }
0x1b: {  	s9 =	sadd.s32 $0xFFFFFEF7, lr;
	s5 =	simm.s32 $0xFFFFFFFF;
	p2 =	slt.u32 s8, $0xFFFFF086  }
0x1c: {  	p1 =	slt.u32 s9, $0xF7A;
	s5 =	simm.s32 @!p2 $0x0  }
0x1d: {  	s5 =	simm.s32 @p1 $0x1;
	p0 =	seq.s32 s7, s2  }
0x1e: {  	s7 =	smul.u32 @!p0 $0xF7A, s2;
	p2 =	seq.s32 @!p0 s5, $0x0  }
0x1f: {  	s9 =	smul.u32 $0xF7A, s1;
	s8 =	simm.s32 @!p0 $0x1BF5;
	p2 =	por !p2, p0  }
0x20: {  	[sflag:s8] =	ssyncset.s32 @!p0 $0xFFFFF086;
	s6 =	sadd.s32 @!p0 s3, s7;
	s7 =	simm.s32 @!p0 $0x108  }
0x21: {  	s3 =	sadd.s32 s3, s9;
	s6 =	sadd.s32 @!p0 $0x88, s6;
	s7 =	simm.s32 @p2 $0x1082  }
0x22: {  	[simem:s7], [sflag:s8] =	dma.local @!p0 [hbm:s6], $0xF7A  }
0x23: {  	s9 =	sor.u32 $0xD0000000, s2;
	s6 =	simm.s32 $0x108;
	_ =	swait.ge @!p0 [sflag:s8], $0x0  }
0x24: {  	s3 =	sadd.s32 $0x88, s3;
	s6 =	simm.s32 @!p1 $0x1082;
	[sflag:s4] =	ssyncset.s32 $0xFFFFF086  }
0x25: {  	[simem:s6], [sflag:s4] =	dma.local [hbm:s3], $0xF7A  }
0x26: {  	[smem:$0x3F92] =	sst s1;
	(tag) =	ssettag s2;
	_ =	strace s9  }
0x27: {  	s1 =	sld [smem:$0x3FA2]  }
0x28: {  	s2 =	sld [smem:$0x3FA3]  }
0x29: {  	s4 =	sld [smem:$0x3FA5]  }
0x2a: {  	p0 =	seq.s32 s5, $0x0;
	s5 =	sld [smem:$0x3FA6]  }
0x2b: {  	s6 =	sld [smem:$0x3FA7]  }
0x2c: {  	s7 =	sld [smem:$0x3FA8]  }
0x2d: {  	s3 =	simm.s32 $0x108;
	s8 =	sld [smem:$0x3FA9]  }
0x2e: {  	s3 =	simm.s32 @!p0 $0x1082;
	s9 =	sld [smem:$0x3FAA]  }
0x2f: {  	lr =	sadd.s32 s0, s3;
	s0 =	sld [smem:$0x3FA1]  }
0x30: {  	s3 =	sld [smem:$0x3FA4]  }
0x31: {  	[smem:$0x3FAD] =	sst s10  }
0x32: {  	s10 =	sld [smem:$0x3FAB];
	_ =	sdelay $0x3  }
0x33: {  	p0 =	seq.s32 s10, $0x1;
	s10 =	sld [smem:$0x3FAD];
	_ =	sdelay $0x3  }
0x34: {  	[smem:$0x3FAD] =	sst s10  }
0x35: {  	s10 =	sld [smem:$0x3FAC];
	_ =	sdelay $0x3  }
0x36: {  	p1 =	seq.s32 s10, $0x1;
	s10 =	sld [smem:$0x3FAD];
	_ =	sdelay $0x3  }
0x37: {  	[smem:$0x3FAD] =	sst s10  }
0x38: {  	s10 =	sld [smem:$0x3FAE]  }
0x39: {  	_ = 	snop;
	(pc) =	sbr.ind lr, $3  }
0x3a: {  	_ = 	snop  }
0x3b: {  	_ = 	snop  }
0x3c: {  	p2 =	seq.s32 s10, $0x1;
	s10 =	sld [smem:$0x3FAD]  }
0x3d: {  	_ =	shalt  }
0x3e: {  	_ =	shalt  }
0x3f: {  	_ =	shalt  }
0x40: {  	_ =	shalt  }
0x41: {  	_ =	shalt  }
0x42: {  	_ =	shalt  }
0x43: {  	_ =	shalt  }
0x44: {  	_ =	shalt  }
0x45: {  	_ =	shalt  }
0x46: {  	_ =	shalt  }
0x47: {  	_ =	shalt  }
0x48: {  	_ =	shalt  }
0x49: {  	_ =	shalt  }
0x4a: {  	_ =	shalt  }
0x4b: {  	_ =	shalt  }
0x4c: {  	_ =	shalt  }
0x4d: {  	_ =	shalt  }
0x4e: {  	_ =	shalt  }
0x4f: {  	_ =	shalt  }
0x50: {  	_ =	shalt  }
0x51: {  	_ =	shalt  }
0x52: {  	_ =	shalt  }
0x53: {  	_ =	shalt  }
0x54: {  	_ =	shalt  }
0x55: {  	_ =	shalt  }
0x56: {  	_ =	shalt  }
0x57: {  	_ =	shalt  }
0x58: {  	_ =	shalt  }
0x59: {  	_ =	shalt  }
0x5a: {  	_ =	shalt  }
0x5b: {  	_ =	shalt  }
0x5c: {  	_ =	shalt  }
0x5d: {  	_ =	shalt  }
0x5e: {  	_ =	shalt  }
0x5f: {  	_ =	shalt  }
0x60: {  	_ =	shalt  }
0x61: {  	_ =	shalt  }
0x62: {  	_ =	shalt  }
0x63: {  	_ =	shalt  }
0x64: {  	_ =	shalt  }
0x65: {  	_ =	shalt  }
0x66: {  	_ =	shalt  }
0x67: {  	_ =	shalt  }
0x68: {  	_ =	shalt  }
0x69: {  	_ =	shalt  }
0x6a: {  	_ =	shalt  }
0x6b: {  	_ =	shalt  }
0x6c: {  	_ =	shalt  }
0x6d: {  	_ =	shalt  }
0x6e: {  	_ =	shalt  }
0x6f: {  	_ =	shalt  }
0x70: {  	_ =	shalt  }
0x71: {  	_ =	shalt  }
0x72: {  	_ =	shalt  }
0x73: {  	_ =	shalt  }
0x74: {  	_ =	shalt  }
0x75: {  	_ =	shalt  }
0x76: {  	_ =	shalt  }
0x77: {  	_ =	shalt  }
0x78: {  	_ =	shalt  }
0x79: {  	_ =	shalt  }
0x7a: {  	_ =	shalt  }
0x7b: {  	_ =	shalt  }
0x7c: {  	_ =	shalt  }
0x7d: {  	_ =	shalt  }
0x7e: {  	_ =	shalt  }
0x7f: {  	_ =	shalt  }
0x80: {  	_ =	shalt  }
0x81: {  	_ =	shalt  }
0x82: {  	_ =	shalt  }
0x83: {  	_ =	shalt  }
0x84: {  	_ =	shalt  }
0x85: {  	_ =	shalt  }
0x86: {  	_ =	shalt  }
0x87: {  	_ =	shalt  }
.Lfunc_end0:
.L_simem_size_0:
called_computation.3_lowered:
.L_overlay_start_0:
0x88: {  	s2 =	sld [smem:$0x3FD9]  }
0x89: {  	s3 =	sld [smem:$0x3FFE];
	_ =	sdelay $0x1  }
0x8a: {  	s1 =	srdreg.scid  }
0x8b: {  	s0 =	sand.u32 $0x1, s1  }
0x8c: {  	s16 =	sshll.u32 s0, $0xA;
	s2 =	sadd.s32 s3, s2  }
0x8d: {  	s2 =	sadd.s32 s2, s16  }
0x8e: {  	[smem:$0x3FB9] =	sst s2  }
0x8f: {  	_ = 	snop  }
0x90: {  	(tm) =	ssettm $0x1  }
0x91: {  	s17 =	sld [smem:$0x3FFB];
	_ =	sdelay $0x3  }
0x92: {  	_ =	strace s17  }
0x93: {  	s2 =	sld [smem:$0x3FFC];
	_ =	sdelay $0x3  }
0x94: {  	_ =	strace s2  }
0x95: {  	s2 =	sld [smem:$0x3FFD];
	_ =	sdelay $0x3  }
0x96: {  	_ =	strace s2  }
0x97: {  	_ =	strace $0x8FFFFFFF  }
0x98: {  	s18 =	sld [smem:$0x3FDB];
	_ =	sdelay $0x1  }
0x99: {  	s19 =	simm.s32 $_scs_section_size  }
0x9a: {  	s4 =	simm.s32 $_size__tile_overlayer_lowered;
	s5 =	simm.s32 $_tile_overlayer_lowered  }
0x9b: {  	s22 =	simm.s32 $0x1BFF;
	s21 =	sshll.u32 s5, $0x1;
	s2 =	sadd.s32 s19, s18  }
0x9c: {  	s6 =	simm.s32 $0x0;
	s20 =	sshll.u32 s4, $0x1;
	s4 =	sadd.s32 s21, s2  }
0x9d: {  	[timem:s6], [sflag:s22] =	dma.local [hbm:s4], s20  }
0x9e: {  	_ =	swait.ge [sflag:s22], s20  }
0x9f: {  	s3 =	ssub.s32 $0x0, s20;
	[sflag:s22] =	ssyncset.done $0x0  }
0xa0: {  	[sflag:s22] =	ssyncadd.s32 s3;
	_ =	sdelay $0x1  }
0xa1: {  	s23 =	simm.s32 $0x1B8B  }
0xa2: {  	_ =	swait.ge [sflag:s23], $0x1  }
0xa3: {  	[sflag:s23] =	ssyncset.done $0x0  }
0xa4: {  	s25 =	simm.s32 $0x1B8E;
	s24 =	sld [smem:$0x3FFE];
	[sflag:s23] =	ssyncadd.s32 $0xFFFFFFFF  }
0xa5: {  	s26 =	simm.s32 $execute0_lowered;
	[smem:$0x3FD2] =	sst s25  }
0xa6: {  	s4 =	sshll.u32 s26, $0x1;
	_ =	strace $0x8000004F;
	[dreg:$0x1] =	wrdreg $0xFFFFFFFF  }
0xa7: {  	s28 =	simm.s32 $_size_execute0_lowered;
	s2 =	sadd.s32 s2, s4;
	[dreg:$0x0] =	wrdreg $0x0  }
0xa8: {  	s4 =	sshll.u32 s28, $0x1;
	[dreg:$0x2] =	wrdreg s2  }
0xa9: {  	[dreg:$0x3] =	wrdreg s4  }
0xaa: {  	[dreg:$0x4] =	wrdreg $0xC0  }
0xab: {  	_ =	task [dreg:s6], $0x5FFFF  }
0xac: {  	[dreg:$0x1] =	wrdreg $0xFFFFFFFF  }
0xad: {  	[dreg:$0x0] =	wrdreg $0x60  }
0xae: {  	[dreg:$0x2] =	wrdreg s24  }
0xaf: {  	[dreg:$0x3] =	wrdreg $0x90000  }
0xb0: {  	[dreg:$0x4] =	wrdreg $0x9  }
0xb1: {  	_ =	task.clear_ibuf [dreg:s6], $0x5FFFF;
	_ =	strace $0x9000004F  }
0xb2: {  	s29 =	simm.s32 $0x9;
	_ =	strace $0x80000051  }
0xb3: {  	_ =	swait.ge [sflag:s29], $0x1  }
0xb4: {  	[sflag:s29] =	ssyncadd.s32 $0xFFFFFFFF  }
0xb5: {  	_ =	strace $0x90000051  }
0xb6: {  	_ =	sfence  }
0xb7: {  	s30 =	sld [smem:$0x0];
	_ =	sdelay $0x2  }
0xb8: {  	s31 =	sshll.u32 s1, $0xD;
	s1 =	sshrl.u32 s1, $0x2  }
0xb9: {  	s3 =	sand.u32 $0x4000, s31;
	s1 =	sadd.s32 s1, s30  }
0xba: {  	s0 =	sor.u32 s3, s0;
	s1 =	sshll.u32 s1, $0x11  }
0xbb: {  	s0 =	sor.u32 s1, s0  }
0xbc: {  	s0 =	sadd.s32 $0x8F2B, s0  }
0xbd: {  	[sflag:s0] =	ssyncadd.remote.s32 $0x1  }
0xbe: {  	_ =	sfence.sel $0xFFFF  }
0xbf: {  	[dreg:$0x0] =	wrdreg $0xFFFFFFFF;
	(pc) =	sbr.abs _section_cstart, $3  }
0xc0: {  	[dreg:$0x1] =	wrdreg $0xFFFFFFFF  }
0xc1: {  	_ =	task.clear_ibuf [dreg:s6], $0x2FFFF;
	_ =	strace $0x9FFFFFFF  }
0xc2: {  	(tm) =	ssettm $0x7FFFFFFF  }
0xc3: {  	_ =	shalt  }
tec
execute0_lowered:
.L_overlay_start_1:
0x0: {  	(tag) =	ssettag $0x1  }
0x1: {  	s0 =	srdreg.scid  }
0x2: {  	s6 =	rddreg [dreg:$0x0];
	s5 =	sand.u32 $0x1, s0;
	s0 =	stileid.u32  }
0x3: {  	s2 =	rddreg [dreg:$0x1];
	s3 =	simm.s32 $0x0;
	s14 =	smul.u32 $0x2800, s0  }
0x4: {  	s13 =	simm.s32 $0x1;
	[smem:$0x7FF] =	sst s3;
	s8 =	smul.u32 $0x28000, s5  }
0x5: {  	s4 =	sadd.s32 $0x3F800, s6;
	s1 =	sshll.u32 s5, $0x4;
	s9 =	smul.u32 $0x50000, s0  }
0x6: {  	s5 =	ssub.s32 $0x2, s5;
	s31 =	sshll.u32 s0, $0x6;
	s1 =	sor.u32 s0, s1  }
0x7: {  	s30 =	sshrl.u32 s5, $0x1;
	s7 =	smul.u32 $0xA00, s1;
	s1 =	rddreg [dreg:$0x2]  }
0x8: {  	_ =	strace $0x80000050;
	s10 =	sadd.s32 s14, s6;
	s9 =	sshrl.u32 s9, $0x2  }
0x9: {  	s8 =	sadd.s32 s8, s6;
	s11 =	ssub.s32 s5, s30;
	s12 =	sadd.s32 s9, s2  }
0xa: {  	s15 =	sadd.s32 $0x67800, s8;
	s8 =	simm.s32 $0x2;
	s9 =	sor.u32 $0x1C02, s31  }
0xb: {  	s7 =	sadd.s32 s7, s6;
	s6 =	sadd.s32 $0x17800, s10;
	s10 =	sshrl.u32 s12, $0x3  }
0xc: {  	s12 =	simm.s32 $0x5000;
	s14 =	sadd.s32 s14, s15;
	s15 =	simm.s32 $0x0  }
0xd: {  	s5 =	sadd.s32 $0x3800, s7;
	s7 =	smax.u32 s11, $0x1;
	s11 =	simm.s32 $0x7D  }
.LBB2_1:
0xe: {  	[tilespmem:s3], [sflag:$0x2] =	stream.linear.gather [hbm4b:s5+s3], $0x5000, $0x38;
	[tilespmem:$0x1D000] =	vst v63  }
0xf: {  	_ =	swait.ge [sflag:s8], $0x5000  }
0x10: {  	[sflag:s8] =	ssyncset.done $0x0  }
0x11: {  	[sflag:s8] =	ssyncadd.s32 $0xFFFFB000  }
0x12: {  	[spmem:s10], [sflag:s9] =	dma.local [hbm:s6], $0x2800  }
0x13: {  	_ =	swait.ge [sflag:s8], $0x2800  }
0x14: {  	[sflag:s8] =	ssyncset.done $0x0  }
0x15: {  	[sflag:s8] =	ssyncadd.s32 $0xFFFFD800  }
0x16: {  	s16 =	simm.s32 $0x0;
	[bflag:$0x0] =	sbarrier.arrive $0xFFFF  }
0x17: {  	[tilespmem:s12], [sflag:$0x1] =	stream.indirect.gather [hbm4b:s4+s11], $0x80, s16, s11, $0xb8;
	[tilespmem:$0x1D000] =	vst v63  }
0x18: {  	_ =	swait.ge [sflag:s13], $0x3E80  }
0x19: {  	[sflag:s13] =	ssyncset.done $0x0  }
0x1a: {  	s31 =	simm.s32 $0x2800;
	[sflag:s13] =	ssyncadd.s32 $0xFFFFC180  }
0x1b: {  	[spmem:s2] =	stream.indirect.scatter.add.f32 [tilespmem:s12], [sflag:$0x2], $0x80, s31, s11, $0xb8;
	[tilespmem:$0x1D000] =	vst v63  }
0x1c: {  	_ =	swait.ge [sflag:s8], $0x3E80  }
0x1d: {  	s17 =	simm.s32 $0x400;
	s16 =	simm.s32 $0x200;
	[sflag:s8] =	ssyncset.done $0x0  }
.LBB2_2:
0x1e: {  	s18 =	sshra.s32 s16, $0x2  }
0x1f: {  	[sflag:s8] =	ssyncadd.s32 $0xFFFFC180;
	s16 =	smov.u32 s17;
	s19 =	sadd.s32 $0x200, s17  }
0x20: {  	[tilespmem:s12], [sflag:$0x1] =	stream.indirect.gather [hbm4b:s4+s11], $0x80, s18, s11, $0xb8;
	[tilespmem:$0x1D000] =	vst v63  }
0x21: {  	p0 =	sne.s32 s17, $0x9E00;
	_ =	swait.ge [sflag:s13], $0x3E80  }
.Ltmp0:
0x22: {  	[sflag:s13] =	ssyncset.done $0x0;
	(pc) =	sbr.rel @p0 .LBB2_2-.Ltmp0, $4  }
0x23: {  	s17 =	sadd.s32 $0x2800, s18;
	[sflag:s13] =	ssyncadd.s32 $0xFFFFC180  }
0x24: {  	[spmem:s2] =	stream.indirect.scatter.add.f32 [tilespmem:s12], [sflag:$0x2], $0x80, s17, s11, $0xb8;
	[tilespmem:$0x1D000] =	vst v63  }
0x25: {  	_ =	swait.ge [sflag:s8], $0x3E80  }
0x26: {  	s17 =	smov.u32 s19;
	[sflag:s8] =	ssyncset.done $0x0  }
0x27: {  	s16 =	sshra.s32 s16, $0x2;
	[sflag:s8] =	ssyncadd.s32 $0xFFFFC180  }
0x28: {  	[tilespmem:s12], [sflag:$0x1] =	stream.indirect.gather [hbm4b:s4+s11], $0x80, s16, s11, $0xb8;
	[tilespmem:$0x1D000] =	vst v63  }
0x29: {  	_ =	swait.ge [sflag:s13], $0x3E80  }
0x2a: {  	[sflag:s13] =	ssyncset.done $0x0  }
0x2b: {  	s16 =	sadd.s32 $0x2800, s16;
	[sflag:s13] =	ssyncadd.s32 $0xFFFFC180  }
0x2c: {  	[spmem:s2] =	stream.indirect.scatter.add.f32 [tilespmem:s12], [sflag:$0x2], $0x80, s16, s11, $0xb8;
	[tilespmem:$0x1D000] =	vst v63  }
0x2d: {  	_ =	swait.ge [sflag:s8], $0x3E80  }
0x2e: {  	s15 =	sadd.s32 $0x1, s15;
	[sflag:s8] =	ssyncset.done $0x0  }
0x2f: {  	p0 =	sne.s32 s15, s7;
	[sflag:s8] =	ssyncadd.s32 $0xFFFFC180  }
.Ltmp1:
0x30: {  	[bflag:$0x0] =	sbarrier.arrive $0xFFFF;
	(pc) =	sbr.rel @p0 .LBB2_1-.Ltmp1, $4  }
0x31: {  	[hbm:s14], [sflag:s9] =	dma.local [spmem:s10], $0x2800  }
0x32: {  	_ =	swait.ge [sflag:s8], $0x2800  }
0x33: {  	[sflag:s8] =	ssyncset.done $0x0  }
0x34: {  	[sflag:s8] =	ssyncadd.s32 $0xFFFFD800  }
0x35: {  	_ =	sfence.sel $0x180000  }
0x36: {  	[bflag:$0x0] =	sbarrier.arrive $0xFFFF  }
0x37: {  	p0 =	sne.s32 s0, $0x0;
	_ =	strace $0x90000050  }
0x38: {  	s0 =	sadd.s32 @!p0 $0x100000, s1;
	[bflag:$0x2] =	sbarrier.arrive $0xFFFF  }
0x39: {  	[sflag:s0] =	ssyncadd.tile.s32 @!p0 $0x1;
	_ =	shalt  }
.Lfunc_end2:
_tile_overlayer_lowered:
.L_overlay_start_2:
0x3a: {  	(tag) =	ssettag $0x2  }
0x3b: {  	s0 =	rddreg [dreg:$0x0];
	s2 =	stileid.u32  }
0x3c: {  	s1 =	rddreg [dreg:$0x1];
	p0 =	sne.s32 s2, $0x0  }
0x3d: {  	s3 =	rddreg [dreg:$0x2];
	[bflag:$0x3] =	sbarrier.arrive $0xFFFF;
	s2 =	simm.s32 @!p0 $0x1C02  }
0x3e: {  	[timem:s3], [sflag:s2] =	dma.local @!p0 [hbm:s0], s1  }
0x3f: {  	s0 =	simm.s32 @!p0 $0x2  }
0x40: {  	_ =	swait.ge @!p0 [sflag:s0], s1  }
0x41: {  	s1 =	ssub.s32 @!p0 $0x0, s1;
	[sflag:s0] =	ssyncset.done @!p0 $0x0  }
0x42: {  	[sflag:s0] =	ssyncadd.s32 @!p0 s1  }
0x43: {  	[bflag:$0x3] =	sbarrier.arrive $0xFFFF  }
0x44: {  	_ =	shalt  }

</sc_bundles>
